<compile_context>
chip_gen: v7x
topology: tpu7x:2x2x1
jax: 0.10.2.dev20260603
libtpu: 0.0.44.dev20260713+nightly
codegen_flags: <defaults>
</compile_context>

<pallas_src>
import jax
import jax.numpy as jnp
from jax import lax
from jax.experimental import pallas as pl
from jax.experimental.pallas import tpu as pltpu
from jax.experimental.pallas import tpu_sc as plsc

N_SAMPLES = 3_200_000
NUM_RAYS = 100_000
NWORKERS = 32
PER_W = N_SAMPLES // NWORKERS
WINSZ = 8192
NFULL = PER_W // WINSZ
TAILSZ = PER_W - NFULL * WINSZ
NBUF = 2
ACCP = 100_352
SLICE = ACCP // 16


def _sc_body(w_hbm, s_hbm, e_hbm, i_hbm, part_hbm, bounds_hbm, *refs):
    (wb0, wb1, sb0, sb1, eb0, eb1, ib0, ib1,
     sr0, sr1, ibt, sb16, eb16, bb, zbuf, acc,
     is0, is1) = refs
    wb = [wb0, wb1]
    sb = [sb0, sb1]
    eb = [eb0, eb1]
    ib = [ib0, ib1]
    sr = [sr0, sr1]
    isem = [is0, is1]

    c = lax.axis_index("c")
    s = lax.axis_index("s")
    wid = s * 2 + c

    def _zero(i, _):
        zbuf[pl.ds(i * 16, 16)] = jnp.zeros((16,), jnp.float32)
        return 0
    lax.fori_loop(0, SLICE // 16, _zero, 0)
    pltpu.sync_copy(zbuf, acc.at[pl.ds(s * SLICE, SLICE)])
    plsc.subcore_barrier()

    base_w = wid * PER_W

    def _fire_in(k, j):
        b = base_w + k * WINSZ
        pltpu.async_copy(w_hbm.at[pl.ds(b, WINSZ)], wb[j], isem[j])
        pltpu.async_copy(s_hbm.at[pl.ds(b, WINSZ)], sb[j], isem[j])
        pltpu.async_copy(e_hbm.at[pl.ds(b, WINSZ)], eb[j], isem[j])
        pltpu.async_copy(i_hbm.at[pl.ds(b, WINSZ)], ib[j], isem[j])

    def _wait_in(j):
        d = w_hbm.at[pl.ds(0, WINSZ)]
        pltpu.make_async_copy(d, wb[j], isem[j]).wait()
        pltpu.make_async_copy(d, sb[j], isem[j]).wait()
        pltpu.make_async_copy(d, eb[j], isem[j]).wait()
        pltpu.make_async_copy(i_hbm.at[pl.ds(0, WINSZ)], ib[j], isem[j]).wait()

    def _compute(dst, wr, srr, er, nvec, unroll):
        def _one(i, _):
            for u in range(unroll):
                sl = pl.ds((i * unroll + u) * 16, 16)
                dst[sl] = wr[sl] * (srr[sl] + er[sl])
            return 0
        lax.fori_loop(0, nvec // unroll, _one, 0)

    def _do_window(k, j, fire_next):
        _wait_in(j)
        _compute(sr[j], wb[j], sb[j], eb[j], WINSZ // 16, 8)
        pltpu.sync_copy(sr[j], acc.at[ib[j]], add=True)
        if fire_next:
            _fire_in(k + 2, j)

    _fire_in(0, 0)
    _fire_in(1, 1)

    def _super(k0, _):
        for j in range(NBUF):
            _do_window(k0 * NBUF + j, j, True)
        return 0
    lax.fori_loop(0, NFULL // NBUF - 1, _super, 0)
    _do_window(NFULL - 2, 0, False)
    _do_window(NFULL - 1, 1, False)

    b = base_w + NFULL * WINSZ
    pltpu.sync_copy(w_hbm.at[pl.ds(b, TAILSZ)], wb[0].at[pl.ds(0, TAILSZ)])
    pltpu.sync_copy(s_hbm.at[pl.ds(b, TAILSZ)], sb[0].at[pl.ds(0, TAILSZ)])
    pltpu.sync_copy(e_hbm.at[pl.ds(b, TAILSZ)], eb[0].at[pl.ds(0, TAILSZ)])
    pltpu.sync_copy(i_hbm.at[pl.ds(b, TAILSZ)], ibt)
    _compute(sr[0], wb[0], sb[0], eb[0], TAILSZ // 16, 2)
    pltpu.sync_copy(sr[0].at[pl.ds(0, TAILSZ)], acc.at[ibt], add=True)

    @pl.when(wid == 0)
    def _():
        pltpu.sync_copy(s_hbm.at[pl.ds(0, 16)], sb16)
        pltpu.sync_copy(e_hbm.at[pl.ds(0, 16)], eb16)
        bb[0, pl.ds(0, 16)] = (sb16[...] + eb16[...]) * 0.5
        pltpu.sync_copy(s_hbm.at[pl.ds(N_SAMPLES - 16, 16)], sb16)
        pltpu.sync_copy(e_hbm.at[pl.ds(N_SAMPLES - 16, 16)], eb16)
        bb[1, pl.ds(0, 16)] = (sb16[...] + eb16[...]) * 0.5
        pltpu.sync_copy(bb, bounds_hbm)

    plsc.subcore_barrier()
    pltpu.sync_copy(acc.at[pl.ds(s * SLICE, SLICE)],
                    part_hbm.at[c, pl.ds(s * SLICE, SLICE)])


_sc_call = pl.kernel(
    _sc_body,
    out_type=(
        jax.ShapeDtypeStruct((2, ACCP), jnp.float32),
        jax.ShapeDtypeStruct((2, 16), jnp.float32),
    ),
    mesh=plsc.VectorSubcoreMesh(core_axis_name="c", subcore_axis_name="s"),
    scratch_types=(
        [pltpu.VMEM((WINSZ,), jnp.float32)] * 2
        + [pltpu.VMEM((WINSZ,), jnp.float32)] * 2
        + [pltpu.VMEM((WINSZ,), jnp.float32)] * 2
        + [pltpu.VMEM((WINSZ,), jnp.int32)] * 2
        + [pltpu.VMEM((WINSZ,), jnp.float32)] * 2
        + [
            pltpu.VMEM((TAILSZ,), jnp.int32),
            pltpu.VMEM((16,), jnp.float32),
            pltpu.VMEM((16,), jnp.float32),
            pltpu.VMEM((2, 16), jnp.float32),
            pltpu.VMEM((SLICE,), jnp.float32),
            pltpu.VMEM_SHARED((ACCP,), jnp.float32),
        ]
        + [pltpu.SemaphoreType.DMA] * 2
    ),
)


def _epilogue(p_ref, b_ref, o_ref):
    lo = b_ref[0, 0]
    hi = b_ref[1, 15]
    o_ref[...] = jnp.clip((p_ref[0] + p_ref[1]) * 0.5, lo, hi)


_epi_call = pl.pallas_call(
    _epilogue,
    out_shape=jax.ShapeDtypeStruct((ACCP // 128, 128), jnp.float32),
    in_specs=[
        pl.BlockSpec(memory_space=pltpu.VMEM),
        pl.BlockSpec(memory_space=pltpu.SMEM),
    ],
    out_specs=pl.BlockSpec(memory_space=pltpu.VMEM),
)


def kernel(weights, starts, ends, ray_indices, num_rays):
    w1 = weights.reshape(N_SAMPLES)
    s1 = starts.reshape(N_SAMPLES)
    e1 = ends.reshape(N_SAMPLES)
    i1 = ray_indices.astype(jnp.int32).reshape(N_SAMPLES)
    partial, bounds = _sc_call(w1, s1, e1, i1)
    padded = _epi_call(partial.reshape(2, ACCP // 128, 128), bounds)
    return padded.reshape(ACCP)[:NUM_RAYS].reshape(NUM_RAYS, 1)

# --- scband reference (transcript-rebuilt; emitter-appended) ---
"""Pipeline reference for scband-depth-renderer-17815524344599 (READ-ONLY COPY).

The authoritative reference and input builder live on the scoring server;
editing this copy changes nothing except your own understanding.
"""

import jax, jax.numpy as jnp
import numpy as np

N = 3200000
NUM_RAYS = 100000

def setup_inputs(seed: int = 0) -> dict:
    key = jax.random.key(seed)
    k1, k2, k3, k4 = jax.random.split(key, 4)
    weights = jax.random.uniform(k1, (N, 1), dtype=jnp.float32)
    starts = jax.random.uniform(k2, (N, 1), dtype=jnp.float32)
    ends = jax.random.uniform(k3, (N, 1), dtype=jnp.float32)
    ray_indices = jnp.sort(jax.random.randint(k4, (N,), 0, NUM_RAYS, dtype=jnp.int64))
    return {"weights": weights, "starts": starts, "ends": ends, "ray_indices": ray_indices, "num_rays": NUM_RAYS}

def reference(weights, starts, ends, ray_indices, num_rays):
    # DepthRenderer.forward, method='expected', packed-samples path
    # (ray_indices is not None and num_rays is not None):
    #   steps = (starts + ends) / 2
    #   depth = nerfacc.accumulate_along_rays(weights, ray_indices, steps, num_rays)
    #         = segment_sum(weights * steps) over rays
    #   depth = clip(depth, steps[..., 0, :], steps[..., -1, :])
    steps = (starts + ends) / 2.0
    src = weights * steps  # [N, 1]
    depth = jax.ops.segment_sum(src, ray_indices, num_segments=NUM_RAYS)  # [num_rays, 1]
    depth = jnp.where(jnp.asarray(num_rays) == jnp.asarray(num_rays), depth, depth)
    depth = jnp.clip(depth, steps[0, :], steps[-1, :])
    return depth

if __name__ == "__main__":
    import jax
    _d = setup_inputs()
    print(jax.jit(kernel)(*tuple(_d.values())))

</pallas_src>

<mosaic_0001>
#map = affine_map<(d0, d1) -> (0)>
#map1 = affine_map<(d0, d1) -> (0, 0)>
module attributes {stable_mosaic.version = 14 : i64} {
  func.func @_sc_body(%arg0: i32, %arg1: i32, %arg2: memref<3200000xf32, #tpu.memory_space<hbm>>, %arg3: memref<3200000xf32, #tpu.memory_space<hbm>>, %arg4: memref<3200000xf32, #tpu.memory_space<hbm>>, %arg5: memref<3200000xi32, #tpu.memory_space<hbm>>, %arg6: memref<2x100352xf32, #tpu.memory_space<hbm>>, %arg7: memref<2x16xf32, #tpu.memory_space<hbm>>, %arg8: memref<8192xf32, #tpu.memory_space<vmem>>, %arg9: memref<8192xf32, #tpu.memory_space<vmem>>, %arg10: memref<8192xf32, #tpu.memory_space<vmem>>, %arg11: memref<8192xf32, #tpu.memory_space<vmem>>, %arg12: memref<8192xf32, #tpu.memory_space<vmem>>, %arg13: memref<8192xf32, #tpu.memory_space<vmem>>, %arg14: memref<8192xi32, #tpu.memory_space<vmem>>, %arg15: memref<8192xi32, #tpu.memory_space<vmem>>, %arg16: memref<8192xf32, #tpu.memory_space<vmem>>, %arg17: memref<8192xf32, #tpu.memory_space<vmem>>, %arg18: memref<1696xi32, #tpu.memory_space<vmem>>, %arg19: memref<16xf32, #tpu.memory_space<vmem>>, %arg20: memref<16xf32, #tpu.memory_space<vmem>>, %arg21: memref<2x16xf32, #tpu.memory_space<vmem>>, %arg22: memref<6272xf32, #tpu.memory_space<vmem>>, %arg23: memref<100352xf32, #tpu.memory_space<vmem_shared>>, %arg24: memref<!tpu.dma_semaphore, #tpu.memory_space<semaphore_mem>>, %arg25: memref<!tpu.dma_semaphore, #tpu.memory_space<semaphore_mem>>) attributes {dimension_semantics = [#tpu.dimension_semantics<core_parallel>, #tpu.dimension_semantics<subcore_parallel>], iteration_bounds = array<i64: 2, 16>, scalar_prefetch = 0 : i64, scratch_operands = 18 : i64, tpu.core_type = #tpu.core_type<sc_vector_subcore>, window_params = [{transform_indices = #map}, {transform_indices = #map}, {transform_indices = #map}, {transform_indices = #map}, {transform_indices = #map1}, {transform_indices = #map1}]} {
    %mul3A = arith.constant 2 : i32
    %mul3A_0 = arith.muli %arg1, %mul3A : i32
    %add3A = arith.addi %mul3A_0, %arg0 : i32
    %scan3A = arith.constant 0 : i32
    %scan3A_1 = arith.constant 0 : i32
    %scan3A_2 = arith.constant 392 : i32
    %scan3A_3 = arith.addi %scan3A_1, %scan3A_2 : i32
    %scan3A_4 = arith.constant 1 : i32
    %scan3A_5 = scf.for %scan3A_98 = %scan3A_1 to %scan3A_3 step %scan3A_4 iter_args(%scan3A_99 = %scan3A) -> (i32)  : i32 {
      %broadcast_in_dim3A = arith.constant 0.000000e+00 : f32
      %broadcast_in_dim3A_100 = vector.broadcast %broadcast_in_dim3A : f32 to vector<16xf32>
      %mul3A_101 = arith.constant 16 : i32
      %mul3A_102 = arith.muli %scan3A_98, %mul3A_101 : i32
      %swap3A = arith.index_cast %mul3A_102 : i32 to index
      %swap3A_103 = tpu.vector_load %arg22[%swap3A] {strides = array<i32>} : memref<6272xf32, #tpu.memory_space<vmem>>, vector<16xf32>,
      %swap3A_104 = vector.shape_cast %swap3A_103 : vector<16xf32> to vector<16xf32>
      %swap3A_105 = vector.shape_cast %broadcast_in_dim3A_100 : vector<16xf32> to vector<16xf32>
      tpu.vector_store %arg22[%swap3A], %swap3A_105 {strides = array<i32>} : memref<6272xf32, #tpu.memory_space<vmem>>, vector<16xf32>,
      %scan3A_106 = arith.constant 0 : i32
      scf.yield %scan3A_106 : i32
    }
    %scan3A_6 = arith.constant 392 : i32
    %mul3A_7 = arith.constant 6272 : i32
    %mul3A_8 = arith.muli %arg1, %mul3A_7 : i32
    "tpu.region"() ({
      %run_scoped3A = tpu.sem_alloc : memref<!tpu.dma_semaphore, #tpu.memory_space<semaphore_mem>>
      %dma_start3A_98 = tpu.memref_slice %arg23[%mul3A_8] : memref<100352xf32, #tpu.memory_space<vmem_shared>> -> memref<6272xf32, #tpu.memory_space<vmem_shared>>
      %dma_start3A_99 = tpu.memref_slice %arg23[%mul3A_8] : memref<100352xf32, #tpu.memory_space<vmem_shared>> -> memref<6272xf32, #tpu.memory_space<vmem_shared>>
      tpu.enqueue_dma source(%arg22 : memref<6272xf32, #tpu.memory_space<vmem>>) target(%dma_start3A_99 : memref<6272xf32, #tpu.memory_space<vmem_shared>>) target_semaphore(%run_scoped3A : memref<!tpu.dma_semaphore, #tpu.memory_space<semaphore_mem>>)
      %dma_wait3A_100 = tpu.memref_slice %arg23[%mul3A_8] : memref<100352xf32, #tpu.memory_space<vmem_shared>> -> memref<6272xf32, #tpu.memory_space<vmem_shared>>
      %dma_wait3A_101 = tpu.memref_slice %arg23[%mul3A_8] : memref<100352xf32, #tpu.memory_space<vmem_shared>> -> memref<6272xf32, #tpu.memory_space<vmem_shared>>
      tpu.wait_dma2 semaphore(%run_scoped3A : memref<!tpu.dma_semaphore, #tpu.memory_space<semaphore_mem>>) src(%arg22 : memref<6272xf32, #tpu.memory_space<vmem>>) dst(%dma_wait3A_101 : memref<6272xf32, #tpu.memory_space<vmem_shared>>)
      tpu.yield
    }) : () -> ()
    %barrier3A = arith.constant 0 : index
    tpu.barrier barrier_id(%barrier3A)
    %mul3A_9 = arith.constant 100000 : i32
    %mul3A_10 = arith.muli %add3A, %mul3A_9 : i32
    %add3A_11 = arith.constant 0 : i32
    %add3A_12 = arith.addi %mul3A_10, %add3A_11 : i32
    %dma_start3A = tpu.memref_slice %arg2[%add3A_12] : memref<3200000xf32, #tpu.memory_space<hbm>> -> memref<8192xf32, #tpu.memory_space<hbm>>
    %dma_start3A_13 = tpu.memref_slice %arg2[%add3A_12] : memref<3200000xf32, #tpu.memory_space<hbm>> -> memref<8192xf32, #tpu.memory_space<hbm>>
    tpu.enqueue_dma source(%dma_start3A_13 : memref<8192xf32, #tpu.memory_space<hbm>>) target(%arg8 : memref<8192xf32, #tpu.memory_space<vmem>>) target_semaphore(%arg24 : memref<!tpu.dma_semaphore, #tpu.memory_space<semaphore_mem>>)
    %dma_start3A_14 = tpu.memref_slice %arg3[%add3A_12] : memref<3200000xf32, #tpu.memory_space<hbm>> -> memref<8192xf32, #tpu.memory_space<hbm>>
    %dma_start3A_15 = tpu.memref_slice %arg3[%add3A_12] : memref<3200000xf32, #tpu.memory_space<hbm>> -> memref<8192xf32, #tpu.memory_space<hbm>>
    tpu.enqueue_dma source(%dma_start3A_15 : memref<8192xf32, #tpu.memory_space<hbm>>) target(%arg10 : memref<8192xf32, #tpu.memory_space<vmem>>) target_semaphore(%arg24 : memref<!tpu.dma_semaphore, #tpu.memory_space<semaphore_mem>>)
    %dma_start3A_16 = tpu.memref_slice %arg4[%add3A_12] : memref<3200000xf32, #tpu.memory_space<hbm>> -> memref<8192xf32, #tpu.memory_space<hbm>>
    %dma_start3A_17 = tpu.memref_slice %arg4[%add3A_12] : memref<3200000xf32, #tpu.memory_space<hbm>> -> memref<8192xf32, #tpu.memory_space<hbm>>
    tpu.enqueue_dma source(%dma_start3A_17 : memref<8192xf32, #tpu.memory_space<hbm>>) target(%arg12 : memref<8192xf32, #tpu.memory_space<vmem>>) target_semaphore(%arg24 : memref<!tpu.dma_semaphore, #tpu.memory_space<semaphore_mem>>)
    %dma_start3A_18 = tpu.memref_slice %arg5[%add3A_12] : memref<3200000xi32, #tpu.memory_space<hbm>> -> memref<8192xi32, #tpu.memory_space<hbm>>
    %dma_start3A_19 = tpu.memref_slice %arg5[%add3A_12] : memref<3200000xi32, #tpu.memory_space<hbm>> -> memref<8192xi32, #tpu.memory_space<hbm>>
    tpu.enqueue_dma source(%dma_start3A_19 : memref<8192xi32, #tpu.memory_space<hbm>>) target(%arg14 : memref<8192xi32, #tpu.memory_space<vmem>>) target_semaphore(%arg24 : memref<!tpu.dma_semaphore, #tpu.memory_space<semaphore_mem>>)
    %add3A_20 = arith.constant 8192 : i32
    %add3A_21 = arith.addi %mul3A_10, %add3A_20 : i32
    %dma_start3A_22 = tpu.memref_slice %arg2[%add3A_21] : memref<3200000xf32, #tpu.memory_space<hbm>> -> memref<8192xf32, #tpu.memory_space<hbm>>
    %dma_start3A_23 = tpu.memref_slice %arg2[%add3A_21] : memref<3200000xf32, #tpu.memory_space<hbm>> -> memref<8192xf32, #tpu.memory_space<hbm>>
    tpu.enqueue_dma source(%dma_start3A_23 : memref<8192xf32, #tpu.memory_space<hbm>>) target(%arg9 : memref<8192xf32, #tpu.memory_space<vmem>>) target_semaphore(%arg25 : memref<!tpu.dma_semaphore, #tpu.memory_space<semaphore_mem>>)
    %dma_start3A_24 = tpu.memref_slice %arg3[%add3A_21] : memref<3200000xf32, #tpu.memory_space<hbm>> -> memref<8192xf32, #tpu.memory_space<hbm>>
    %dma_start3A_25 = tpu.memref_slice %arg3[%add3A_21] : memref<3200000xf32, #tpu.memory_space<hbm>> -> memref<8192xf32, #tpu.memory_space<hbm>>
    tpu.enqueue_dma source(%dma_start3A_25 : memref<8192xf32, #tpu.memory_space<hbm>>) target(%arg11 : memref<8192xf32, #tpu.memory_space<vmem>>) target_semaphore(%arg25 : memref<!tpu.dma_semaphore, #tpu.memory_space<semaphore_mem>>)
    %dma_start3A_26 = tpu.memref_slice %arg4[%add3A_21] : memref<3200000xf32, #tpu.memory_space<hbm>> -> memref<8192xf32, #tpu.memory_space<hbm>>
    %dma_start3A_27 = tpu.memref_slice %arg4[%add3A_21] : memref<3200000xf32, #tpu.memory_space<hbm>> -> memref<8192xf32, #tpu.memory_space<hbm>>
    tpu.enqueue_dma source(%dma_start3A_27 : memref<8192xf32, #tpu.memory_space<hbm>>) target(%arg13 : memref<8192xf32, #tpu.memory_space<vmem>>) target_semaphore(%arg25 : memref<!tpu.dma_semaphore, #tpu.memory_space<semaphore_mem>>)
    %dma_start3A_28 = tpu.memref_slice %arg5[%add3A_21] : memref<3200000xi32, #tpu.memory_space<hbm>> -> memref<8192xi32, #tpu.memory_space<hbm>>
    %dma_start3A_29 = tpu.memref_slice %arg5[%add3A_21] : memref<3200000xi32, #tpu.memory_space<hbm>> -> memref<8192xi32, #tpu.memory_space<hbm>>
    tpu.enqueue_dma source(%dma_start3A_29 : memref<8192xi32, #tpu.memory_space<hbm>>) target(%arg15 : memref<8192xi32, #tpu.memory_space<vmem>>) target_semaphore(%arg25 : memref<!tpu.dma_semaphore, #tpu.memory_space<semaphore_mem>>)
    %scan3A_30 = arith.constant 0 : i32
    %scan3A_31 = arith.constant 0 : i32
    %scan3A_32 = arith.constant 5 : i32
    %scan3A_33 = arith.addi %scan3A_31, %scan3A_32 : i32
    %scan3A_34 = arith.constant 1 : i32
    %scan3A_35 = scf.for %scan3A_98 = %scan3A_31 to %scan3A_33 step %scan3A_34 iter_args(%scan3A_99 = %scan3A_30) -> (i32)  : i32 {
      %mul3A_100 = arith.constant 2 : i32
      %mul3A_101 = arith.muli %scan3A_98, %mul3A_100 : i32
      %add3A_102 = arith.constant 0 : i32
      %add3A_103 = arith.addi %mul3A_101, %add3A_102 : i32
      %dma_wait3A_104 = arith.constant 0 : i32
      %dma_wait3A_105 = tpu.memref_slice %arg2[%dma_wait3A_104] : memref<3200000xf32, #tpu.memory_space<hbm>> -> memref<8192xf32, #tpu.memory_space<hbm>>
      %dma_wait3A_106 = arith.constant 0 : i32
      %dma_wait3A_107 = tpu.memref_slice %arg2[%dma_wait3A_106] : memref<3200000xf32, #tpu.memory_space<hbm>> -> memref<8192xf32, #tpu.memory_space<hbm>>
      tpu.wait_dma2 semaphore(%arg24 : memref<!tpu.dma_semaphore, #tpu.memory_space<semaphore_mem>>) src(%dma_wait3A_107 : memref<8192xf32, #tpu.memory_space<hbm>>) dst(%arg8 : memref<8192xf32, #tpu.memory_space<vmem>>)
      %dma_wait3A_108 = arith.constant 0 : i32
      %dma_wait3A_109 = tpu.memref_slice %arg2[%dma_wait3A_108] : memref<3200000xf32, #tpu.memory_space<hbm>> -> memref<8192xf32, #tpu.memory_space<hbm>>
      %dma_wait3A_110 = arith.constant 0 : i32
      %dma_wait3A_111 = tpu.memref_slice %arg2[%dma_wait3A_110] : memref<3200000xf32, #tpu.memory_space<hbm>> -> memref<8192xf32, #tpu.memory_space<hbm>>
      tpu.wait_dma2 semaphore(%arg24 : memref<!tpu.dma_semaphore, #tpu.memory_space<semaphore_mem>>) src(%dma_wait3A_111 : memref<8192xf32, #tpu.memory_space<hbm>>) dst(%arg10 : memref<8192xf32, #tpu.memory_space<vmem>>)
      %dma_wait3A_112 = arith.constant 0 : i32
      %dma_wait3A_113 = tpu.memref_slice %arg2[%dma_wait3A_112] : memref<3200000xf32, #tpu.memory_space<hbm>> -> memref<8192xf32, #tpu.memory_space<hbm>>
      %dma_wait3A_114 = arith.constant 0 : i32
      %dma_wait3A_115 = tpu.memref_slice %arg2[%dma_wait3A_114] : memref<3200000xf32, #tpu.memory_space<hbm>> -> memref<8192xf32, #tpu.memory_space<hbm>>
      tpu.wait_dma2 semaphore(%arg24 : memref<!tpu.dma_semaphore, #tpu.memory_space<semaphore_mem>>) src(%dma_wait3A_115 : memref<8192xf32, #tpu.memory_space<hbm>>) dst(%arg12 : memref<8192xf32, #tpu.memory_space<vmem>>)
      %dma_wait3A_116 = arith.constant 0 : i32
      %dma_wait3A_117 = tpu.memref_slice %arg5[%dma_wait3A_116] : memref<3200000xi32, #tpu.memory_space<hbm>> -> memref<8192xi32, #tpu.memory_space<hbm>>
      %dma_wait3A_118 = arith.constant 0 : i32
      %dma_wait3A_119 = tpu.memref_slice %arg5[%dma_wait3A_118] : memref<3200000xi32, #tpu.memory_space<hbm>> -> memref<8192xi32, #tpu.memory_space<hbm>>
      tpu.wait_dma2 semaphore(%arg24 : memref<!tpu.dma_semaphore, #tpu.memory_space<semaphore_mem>>) src(%dma_wait3A_119 : memref<8192xi32, #tpu.memory_space<hbm>>) dst(%arg14 : memref<8192xi32, #tpu.memory_space<vmem>>)
      %scan3A_120 = arith.constant 0 : i32
      %scan3A_121 = arith.constant 0 : i32
      %scan3A_122 = arith.constant 64 : i32
      %scan3A_123 = arith.addi %scan3A_121, %scan3A_122 : i32
      %scan3A_124 = arith.constant 1 : i32
      %scan3A_125 = scf.for %scan3A_181 = %scan3A_121 to %scan3A_123 step %scan3A_124 iter_args(%scan3A_182 = %scan3A_120) -> (i32)  : i32 {
        %mul3A_183 = arith.constant 8 : i32
        %mul3A_184 = arith.muli %scan3A_181, %mul3A_183 : i32
        %add3A_185 = arith.constant 0 : i32
        %add3A_186 = arith.addi %mul3A_184, %add3A_185 : i32
        %mul3A_187 = arith.constant 16 : i32
        %mul3A_188 = arith.muli %add3A_186, %mul3A_187 : i32
        %get3A = arith.index_cast %mul3A_188 : i32 to index
        %get3A_189 = tpu.vector_load %arg8[%get3A] {strides = array<i32>} : memref<8192xf32, #tpu.memory_space<vmem>>, vector<16xf32>,
        %get3A_190 = vector.shape_cast %get3A_189 : vector<16xf32> to vector<16xf32>
        %get3A_191 = arith.index_cast %mul3A_188 : i32 to index
        %get3A_192 = tpu.vector_load %arg10[%get3A_191] {strides = array<i32>} : memref<8192xf32, #tpu.memory_space<vmem>>, vector<16xf32>,
        %get3A_193 = vector.shape_cast %get3A_192 : vector<16xf32> to vector<16xf32>
        %get3A_194 = arith.index_cast %mul3A_188 : i32 to index
        %get3A_195 = tpu.vector_load %arg12[%get3A_194] {strides = array<i32>} : memref<8192xf32, #tpu.memory_space<vmem>>, vector<16xf32>,
        %get3A_196 = vector.shape_cast %get3A_195 : vector<16xf32> to vector<16xf32>
        %add3A_197 = arith.addf %get3A_193, %get3A_196 : vector<16xf32>
        %mul3A_198 = arith.mulf %get3A_190, %add3A_197 : vector<16xf32>
        %swap3A = arith.index_cast %mul3A_188 : i32 to index
        %swap3A_199 = tpu.vector_load %arg16[%swap3A] {strides = array<i32>} : memref<8192xf32, #tpu.memory_space<vmem>>, vector<16xf32>,
        %swap3A_200 = vector.shape_cast %swap3A_199 : vector<16xf32> to vector<16xf32>
        %swap3A_201 = vector.shape_cast %mul3A_198 : vector<16xf32> to vector<16xf32>
        tpu.vector_store %arg16[%swap3A], %swap3A_201 {strides = array<i32>} : memref<8192xf32, #tpu.memory_space<vmem>>, vector<16xf32>,
        %mul3A_202 = arith.constant 8 : i32
        %mul3A_203 = arith.muli %scan3A_181, %mul3A_202 : i32
        %add3A_204 = arith.constant 1 : i32
        %add3A_205 = arith.addi %mul3A_203, %add3A_204 : i32
        %mul3A_206 = arith.constant 16 : i32
        %mul3A_207 = arith.muli %add3A_205, %mul3A_206 : i32
        %get3A_208 = arith.index_cast %mul3A_207 : i32 to index
        %get3A_209 = tpu.vector_load %arg8[%get3A_208] {strides = array<i32>} : memref<8192xf32, #tpu.memory_space<vmem>>, vector<16xf32>,
        %get3A_210 = vector.shape_cast %get3A_209 : vector<16xf32> to vector<16xf32>
        %get3A_211 = arith.index_cast %mul3A_207 : i32 to index
        %get3A_212 = tpu.vector_load %arg10[%get3A_211] {strides = array<i32>} : memref<8192xf32, #tpu.memory_space<vmem>>, vector<16xf32>,
        %get3A_213 = vector.shape_cast %get3A_212 : vector<16xf32> to vector<16xf32>
        %get3A_214 = arith.index_cast %mul3A_207 : i32 to index
        %get3A_215 = tpu.vector_load %arg12[%get3A_214] {strides = array<i32>} : memref<8192xf32, #tpu.memory_space<vmem>>, vector<16xf32>,
        %get3A_216 = vector.shape_cast %get3A_215 : vector<16xf32> to vector<16xf32>
        %add3A_217 = arith.addf %get3A_213, %get3A_216 : vector<16xf32>
        %mul3A_218 = arith.mulf %get3A_210, %add3A_217 : vector<16xf32>
        %swap3A_219 = arith.index_cast %mul3A_207 : i32 to index
        %swap3A_220 = tpu.vector_load %arg16[%swap3A_219] {strides = array<i32>} : memref<8192xf32, #tpu.memory_space<vmem>>, vector<16xf32>,
        %swap3A_221 = vector.shape_cast %swap3A_220 : vector<16xf32> to vector<16xf32>
        %swap3A_222 = vector.shape_cast %mul3A_218 : vector<16xf32> to vector<16xf32>
        tpu.vector_store %arg16[%swap3A_219], %swap3A_222 {strides = array<i32>} : memref<8192xf32, #tpu.memory_space<vmem>>, vector<16xf32>,
        %mul3A_223 = arith.constant 8 : i32
        %mul3A_224 = arith.muli %scan3A_181, %mul3A_223 : i32
        %add3A_225 = arith.constant 2 : i32
        %add3A_226 = arith.addi %mul3A_224, %add3A_225 : i32
        %mul3A_227 = arith.constant 16 : i32
        %mul3A_228 = arith.muli %add3A_226, %mul3A_227 : i32
        %get3A_229 = arith.index_cast %mul3A_228 : i32 to index
        %get3A_230 = tpu.vector_load %arg8[%get3A_229] {strides = array<i32>} : memref<8192xf32, #tpu.memory_space<vmem>>, vector<16xf32>,
        %get3A_231 = vector.shape_cast %get3A_230 : vector<16xf32> to vector<16xf32>
        %get3A_232 = arith.index_cast %mul3A_228 : i32 to index
        %get3A_233 = tpu.vector_load %arg10[%get3A_232] {strides = array<i32>} : memref<8192xf32, #tpu.memory_space<vmem>>, vector<16xf32>,
        %get3A_234 = vector.shape_cast %get3A_233 : vector<16xf32> to vector<16xf32>
        %get3A_235 = arith.index_cast %mul3A_228 : i32 to index
        %get3A_236 = tpu.vector_load %arg12[%get3A_235] {strides = array<i32>} : memref<8192xf32, #tpu.memory_space<vmem>>, vector<16xf32>,
        %get3A_237 = vector.shape_cast %get3A_236 : vector<16xf32> to vector<16xf32>
        %add3A_238 = arith.addf %get3A_234, %get3A_237 : vector<16xf32>
        %mul3A_239 = arith.mulf %get3A_231, %add3A_238 : vector<16xf32>
        %swap3A_240 = arith.index_cast %mul3A_228 : i32 to index
        %swap3A_241 = tpu.vector_load %arg16[%swap3A_240] {strides = array<i32>} : memref<8192xf32, #tpu.memory_space<vmem>>, vector<16xf32>,
        %swap3A_242 = vector.shape_cast %swap3A_241 : vector<16xf32> to vector<16xf32>
        %swap3A_243 = vector.shape_cast %mul3A_239 : vector<16xf32> to vector<16xf32>
        tpu.vector_store %arg16[%swap3A_240], %swap3A_243 {strides = array<i32>} : memref<8192xf32, #tpu.memory_space<vmem>>, vector<16xf32>,
        %mul3A_244 = arith.constant 8 : i32
        %mul3A_245 = arith.muli %scan3A_181, %mul3A_244 : i32
        %add3A_246 = arith.constant 3 : i32
        %add3A_247 = arith.addi %mul3A_245, %add3A_246 : i32
        %mul3A_248 = arith.constant 16 : i32
        %mul3A_249 = arith.muli %add3A_247, %mul3A_248 : i32
        %get3A_250 = arith.index_cast %mul3A_249 : i32 to index
        %get3A_251 = tpu.vector_load %arg8[%get3A_250] {strides = array<i32>} : memref<8192xf32, #tpu.memory_space<vmem>>, vector<16xf32>,
        %get3A_252 = vector.shape_cast %get3A_251 : vector<16xf32> to vector<16xf32>
        %get3A_253 = arith.index_cast %mul3A_249 : i32 to index
        %get3A_254 = tpu.vector_load %arg10[%get3A_253] {strides = array<i32>} : memref<8192xf32, #tpu.memory_space<vmem>>, vector<16xf32>,
        %get3A_255 = vector.shape_cast %get3A_254 : vector<16xf32> to vector<16xf32>
        %get3A_256 = arith.index_cast %mul3A_249 : i32 to index
        %get3A_257 = tpu.vector_load %arg12[%get3A_256] {strides = array<i32>} : memref<8192xf32, #tpu.memory_space<vmem>>, vector<16xf32>,
        %get3A_258 = vector.shape_cast %get3A_257 : vector<16xf32> to vector<16xf32>
        %add3A_259 = arith.addf %get3A_255, %get3A_258 : vector<16xf32>
        %mul3A_260 = arith.mulf %get3A_252, %add3A_259 : vector<16xf32>
        %swap3A_261 = arith.index_cast %mul3A_249 : i32 to index
        %swap3A_262 = tpu.vector_load %arg16[%swap3A_261] {strides = array<i32>} : memref<8192xf32, #tpu.memory_space<vmem>>, vector<16xf32>,
        %swap3A_263 = vector.shape_cast %swap3A_262 : vector<16xf32> to vector<16xf32>
        %swap3A_264 = vector.shape_cast %mul3A_260 : vector<16xf32> to vector<16xf32>
        tpu.vector_store %arg16[%swap3A_261], %swap3A_264 {strides = array<i32>} : memref<8192xf32, #tpu.memory_space<vmem>>, vector<16xf32>,
        %mul3A_265 = arith.constant 8 : i32
        %mul3A_266 = arith.muli %scan3A_181, %mul3A_265 : i32
        %add3A_267 = arith.constant 4 : i32
        %add3A_268 = arith.addi %mul3A_266, %add3A_267 : i32
        %mul3A_269 = arith.constant 16 : i32
        %mul3A_270 = arith.muli %add3A_268, %mul3A_269 : i32
        %get3A_271 = arith.index_cast %mul3A_270 : i32 to index
        %get3A_272 = tpu.vector_load %arg8[%get3A_271] {strides = array<i32>} : memref<8192xf32, #tpu.memory_space<vmem>>, vector<16xf32>,
        %get3A_273 = vector.shape_cast %get3A_272 : vector<16xf32> to vector<16xf32>
        %get3A_274 = arith.index_cast %mul3A_270 : i32 to index
        %get3A_275 = tpu.vector_load %arg10[%get3A_274] {strides = array<i32>} : memref<8192xf32, #tpu.memory_space<vmem>>, vector<16xf32>,
        %get3A_276 = vector.shape_cast %get3A_275 : vector<16xf32> to vector<16xf32>
        %get3A_277 = arith.index_cast %mul3A_270 : i32 to index
        %get3A_278 = tpu.vector_load %arg12[%get3A_277] {strides = array<i32>} : memref<8192xf32, #tpu.memory_space<vmem>>, vector<16xf32>,
        %get3A_279 = vector.shape_cast %get3A_278 : vector<16xf32> to vector<16xf32>
        %add3A_280 = arith.addf %get3A_276, %get3A_279 : vector<16xf32>
        %mul3A_281 = arith.mulf %get3A_273, %add3A_280 : vector<16xf32>
        %swap3A_282 = arith.index_cast %mul3A_270 : i32 to index
        %swap3A_283 = tpu.vector_load %arg16[%swap3A_282] {strides = array<i32>} : memref<8192xf32, #tpu.memory_space<vmem>>, vector<16xf32>,
        %swap3A_284 = vector.shape_cast %swap3A_283 : vector<16xf32> to vector<16xf32>
        %swap3A_285 = vector.shape_cast %mul3A_281 : vector<16xf32> to vector<16xf32>
        tpu.vector_store %arg16[%swap3A_282], %swap3A_285 {strides = array<i32>} : memref<8192xf32, #tpu.memory_space<vmem>>, vector<16xf32>,
        %mul3A_286 = arith.constant 8 : i32
        %mul3A_287 = arith.muli %scan3A_181, %mul3A_286 : i32
        %add3A_288 = arith.constant 5 : i32
        %add3A_289 = arith.addi %mul3A_287, %add3A_288 : i32
        %mul3A_290 = arith.constant 16 : i32
        %mul3A_291 = arith.muli %add3A_289, %mul3A_290 : i32
        %get3A_292 = arith.index_cast %mul3A_291 : i32 to index
        %get3A_293 = tpu.vector_load %arg8[%get3A_292] {strides = array<i32>} : memref<8192xf32, #tpu.memory_space<vmem>>, vector<16xf32>,
        %get3A_294 = vector.shape_cast %get3A_293 : vector<16xf32> to vector<16xf32>
        %get3A_295 = arith.index_cast %mul3A_291 : i32 to index
        %get3A_296 = tpu.vector_load %arg10[%get3A_295] {strides = array<i32>} : memref<8192xf32, #tpu.memory_space<vmem>>, vector<16xf32>,
        %get3A_297 = vector.shape_cast %get3A_296 : vector<16xf32> to vector<16xf32>
        %get3A_298 = arith.index_cast %mul3A_291 : i32 to index
        %get3A_299 = tpu.vector_load %arg12[%get3A_298] {strides = array<i32>} : memref<8192xf32, #tpu.memory_space<vmem>>, vector<16xf32>,
        %get3A_300 = vector.shape_cast %get3A_299 : vector<16xf32> to vector<16xf32>
        %add3A_301 = arith.addf %get3A_297, %get3A_300 : vector<16xf32>
        %mul3A_302 = arith.mulf %get3A_294, %add3A_301 : vector<16xf32>
        %swap3A_303 = arith.index_cast %mul3A_291 : i32 to index
        %swap3A_304 = tpu.vector_load %arg16[%swap3A_303] {strides = array<i32>} : memref<8192xf32, #tpu.memory_space<vmem>>, vector<16xf32>,
        %swap3A_305 = vector.shape_cast %swap3A_304 : vector<16xf32> to vector<16xf32>
        %swap3A_306 = vector.shape_cast %mul3A_302 : vector<16xf32> to vector<16xf32>
        tpu.vector_store %arg16[%swap3A_303], %swap3A_306 {strides = array<i32>} : memref<8192xf32, #tpu.memory_space<vmem>>, vector<16xf32>,
        %mul3A_307 = arith.constant 8 : i32
        %mul3A_308 = arith.muli %scan3A_181, %mul3A_307 : i32
        %add3A_309 = arith.constant 6 : i32
        %add3A_310 = arith.addi %mul3A_308, %add3A_309 : i32
        %mul3A_311 = arith.constant 16 : i32
        %mul3A_312 = arith.muli %add3A_310, %mul3A_311 : i32
        %get3A_313 = arith.index_cast %mul3A_312 : i32 to index
        %get3A_314 = tpu.vector_load %arg8[%get3A_313] {strides = array<i32>} : memref<8192xf32, #tpu.memory_space<vmem>>, vector<16xf32>,
        %get3A_315 = vector.shape_cast %get3A_314 : vector<16xf32> to vector<16xf32>
        %get3A_316 = arith.index_cast %mul3A_312 : i32 to index
        %get3A_317 = tpu.vector_load %arg10[%get3A_316] {strides = array<i32>} : memref<8192xf32, #tpu.memory_space<vmem>>, vector<16xf32>,
        %get3A_318 = vector.shape_cast %get3A_317 : vector<16xf32> to vector<16xf32>
        %get3A_319 = arith.index_cast %mul3A_312 : i32 to index
        %get3A_320 = tpu.vector_load %arg12[%get3A_319] {strides = array<i32>} : memref<8192xf32, #tpu.memory_space<vmem>>, vector<16xf32>,
        %get3A_321 = vector.shape_cast %get3A_320 : vector<16xf32> to vector<16xf32>
        %add3A_322 = arith.addf %get3A_318, %get3A_321 : vector<16xf32>
        %mul3A_323 = arith.mulf %get3A_315, %add3A_322 : vector<16xf32>
        %swap3A_324 = arith.index_cast %mul3A_312 : i32 to index
        %swap3A_325 = tpu.vector_load %arg16[%swap3A_324] {strides = array<i32>} : memref<8192xf32, #tpu.memory_space<vmem>>, vector<16xf32>,
        %swap3A_326 = vector.shape_cast %swap3A_325 : vector<16xf32> to vector<16xf32>
        %swap3A_327 = vector.shape_cast %mul3A_323 : vector<16xf32> to vector<16xf32>
        tpu.vector_store %arg16[%swap3A_324], %swap3A_327 {strides = array<i32>} : memref<8192xf32, #tpu.memory_space<vmem>>, vector<16xf32>,
        %mul3A_328 = arith.constant 8 : i32
        %mul3A_329 = arith.muli %scan3A_181, %mul3A_328 : i32
        %add3A_330 = arith.constant 7 : i32
        %add3A_331 = arith.addi %mul3A_329, %add3A_330 : i32
        %mul3A_332 = arith.constant 16 : i32
        %mul3A_333 = arith.muli %add3A_331, %mul3A_332 : i32
        %get3A_334 = arith.index_cast %mul3A_333 : i32 to index
        %get3A_335 = tpu.vector_load %arg8[%get3A_334] {strides = array<i32>} : memref<8192xf32, #tpu.memory_space<vmem>>, vector<16xf32>,
        %get3A_336 = vector.shape_cast %get3A_335 : vector<16xf32> to vector<16xf32>
        %get3A_337 = arith.index_cast %mul3A_333 : i32 to index
        %get3A_338 = tpu.vector_load %arg10[%get3A_337] {strides = array<i32>} : memref<8192xf32, #tpu.memory_space<vmem>>, vector<16xf32>,
        %get3A_339 = vector.shape_cast %get3A_338 : vector<16xf32> to vector<16xf32>
        %get3A_340 = arith.index_cast %mul3A_333 : i32 to index
        %get3A_341 = tpu.vector_load %arg12[%get3A_340] {strides = array<i32>} : memref<8192xf32, #tpu.memory_space<vmem>>, vector<16xf32>,
        %get3A_342 = vector.shape_cast %get3A_341 : vector<16xf32> to vector<16xf32>
        %add3A_343 = arith.addf %get3A_339, %get3A_342 : vector<16xf32>
        %mul3A_344 = arith.mulf %get3A_336, %add3A_343 : vector<16xf32>
        %swap3A_345 = arith.index_cast %mul3A_333 : i32 to index
        %swap3A_346 = tpu.vector_load %arg16[%swap3A_345] {strides = array<i32>} : memref<8192xf32, #tpu.memory_space<vmem>>, vector<16xf32>,
        %swap3A_347 = vector.shape_cast %swap3A_346 : vector<16xf32> to vector<16xf32>
        %swap3A_348 = vector.shape_cast %mul3A_344 : vector<16xf32> to vector<16xf32>
        tpu.vector_store %arg16[%swap3A_345], %swap3A_348 {strides = array<i32>} : memref<8192xf32, #tpu.memory_space<vmem>>, vector<16xf32>,
        %scan3A_349 = arith.constant 0 : i32
        scf.yield %scan3A_349 : i32
      }
      %scan3A_126 = arith.constant 64 : i32
      "tpu.region"() ({
        %run_scoped3A = tpu.sem_alloc : memref<!tpu.dma_semaphore, #tpu.memory_space<semaphore_mem>>
        %dma_start3A_181 = arith.constant 0 : i32
        %dma_start3A_182 = tpu.memref_slice %arg23[%dma_start3A_181] : memref<100352xf32, #tpu.memory_space<vmem_shared>> -> memref<100352xf32, #tpu.memory_space<vmem_shared>>
        tpu.enqueue_indirect_dma source(%arg16 : memref<8192xf32, #tpu.memory_space<vmem>>) target(%dma_start3A_182 : memref<100352xf32, #tpu.memory_space<vmem_shared>>) offsets(%arg14 : memref<8192xi32, #tpu.memory_space<vmem>>) semaphore(%run_scoped3A : memref<!tpu.dma_semaphore, #tpu.memory_space<semaphore_mem>>) {add = true}
        %dma_wait3A_183 = arith.constant 0 : i32
        %dma_wait3A_184 = tpu.memref_slice %arg23[%dma_wait3A_183] : memref<100352xf32, #tpu.memory_space<vmem_shared>> -> memref<100352xf32, #tpu.memory_space<vmem_shared>>
        tpu.wait_indirect_dma semaphore(%run_scoped3A : memref<!tpu.dma_semaphore, #tpu.memory_space<semaphore_mem>>) src(%arg16 : memref<8192xf32, #tpu.memory_space<vmem>>) dst(%dma_wait3A_184 : memref<100352xf32, #tpu.memory_space<vmem_shared>>)
        tpu.yield
      }) : () -> ()
      %add3A_127 = arith.constant 2 : i32
      %add3A_128 = arith.addi %add3A_103, %add3A_127 : i32
      %mul3A_129 = arith.constant 8192 : i32
      %mul3A_130 = arith.muli %add3A_128, %mul3A_129 : i32
      %add3A_131 = arith.addi %mul3A_10, %mul3A_130 : i32
      %dma_start3A_132 = tpu.memref_slice %arg2[%add3A_131] : memref<3200000xf32, #tpu.memory_space<hbm>> -> memref<8192xf32, #tpu.memory_space<hbm>>
      %dma_start3A_133 = tpu.memref_slice %arg2[%add3A_131] : memref<3200000xf32, #tpu.memory_space<hbm>> -> memref<8192xf32, #tpu.memory_space<hbm>>
      tpu.enqueue_dma source(%dma_start3A_133 : memref<8192xf32, #tpu.memory_space<hbm>>) target(%arg8 : memref<8192xf32, #tpu.memory_space<vmem>>) target_semaphore(%arg24 : memref<!tpu.dma_semaphore, #tpu.memory_space<semaphore_mem>>)
      %dma_start3A_134 = tpu.memref_slice %arg3[%add3A_131] : memref<3200000xf32, #tpu.memory_space<hbm>> -> memref<8192xf32, #tpu.memory_space<hbm>>
      %dma_start3A_135 = tpu.memref_slice %arg3[%add3A_131] : memref<3200000xf32, #tpu.memory_space<hbm>> -> memref<8192xf32, #tpu.memory_space<hbm>>
      tpu.enqueue_dma source(%dma_start3A_135 : memref<8192xf32, #tpu.memory_space<hbm>>) target(%arg10 : memref<8192xf32, #tpu.memory_space<vmem>>) target_semaphore(%arg24 : memref<!tpu.dma_semaphore, #tpu.memory_space<semaphore_mem>>)
      %dma_start3A_136 = tpu.memref_slice %arg4[%add3A_131] : memref<3200000xf32, #tpu.memory_space<hbm>> -> memref<8192xf32, #tpu.memory_space<hbm>>
      %dma_start3A_137 = tpu.memref_slice %arg4[%add3A_131] : memref<3200000xf32, #tpu.memory_space<hbm>> -> memref<8192xf32, #tpu.memory_space<hbm>>
      tpu.enqueue_dma source(%dma_start3A_137 : memref<8192xf32, #tpu.memory_space<hbm>>) target(%arg12 : memref<8192xf32, #tpu.memory_space<vmem>>) target_semaphore(%arg24 : memref<!tpu.dma_semaphore, #tpu.memory_space<semaphore_mem>>)
      %dma_start3A_138 = tpu.memref_slice %arg5[%add3A_131] : memref<3200000xi32, #tpu.memory_space<hbm>> -> memref<8192xi32, #tpu.memory_space<hbm>>
      %dma_start3A_139 = tpu.memref_slice %arg5[%add3A_131] : memref<3200000xi32, #tpu.memory_space<hbm>> -> memref<8192xi32, #tpu.memory_space<hbm>>
      tpu.enqueue_dma source(%dma_start3A_139 : memref<8192xi32, #tpu.memory_space<hbm>>) target(%arg14 : memref<8192xi32, #tpu.memory_space<vmem>>) target_semaphore(%arg24 : memref<!tpu.dma_semaphore, #tpu.memory_space<semaphore_mem>>)
      %mul3A_140 = arith.constant 2 : i32
      %mul3A_141 = arith.muli %scan3A_98, %mul3A_140 : i32
      %add3A_142 = arith.constant 1 : i32
      %add3A_143 = arith.addi %mul3A_141, %add3A_142 : i32
      %dma_wait3A_144 = arith.constant 0 : i32
      %dma_wait3A_145 = tpu.memref_slice %arg2[%dma_wait3A_144] : memref<3200000xf32, #tpu.memory_space<hbm>> -> memref<8192xf32, #tpu.memory_space<hbm>>
      %dma_wait3A_146 = arith.constant 0 : i32
      %dma_wait3A_147 = tpu.memref_slice %arg2[%dma_wait3A_146] : memref<3200000xf32, #tpu.memory_space<hbm>> -> memref<8192xf32, #tpu.memory_space<hbm>>
      tpu.wait_dma2 semaphore(%arg25 : memref<!tpu.dma_semaphore, #tpu.memory_space<semaphore_mem>>) src(%dma_wait3A_147 : memref<8192xf32, #tpu.memory_space<hbm>>) dst(%arg9 : memref<8192xf32, #tpu.memory_space<vmem>>)
      %dma_wait3A_148 = arith.constant 0 : i32
      %dma_wait3A_149 = tpu.memref_slice %arg2[%dma_wait3A_148] : memref<3200000xf32, #tpu.memory_space<hbm>> -> memref<8192xf32, #tpu.memory_space<hbm>>
      %dma_wait3A_150 = arith.constant 0 : i32
      %dma_wait3A_151 = tpu.memref_slice %arg2[%dma_wait3A_150] : memref<3200000xf32, #tpu.memory_space<hbm>> -> memref<8192xf32, #tpu.memory_space<hbm>>
      tpu.wait_dma2 semaphore(%arg25 : memref<!tpu.dma_semaphore, #tpu.memory_space<semaphore_mem>>) src(%dma_wait3A_151 : memref<8192xf32, #tpu.memory_space<hbm>>) dst(%arg11 : memref<8192xf32, #tpu.memory_space<vmem>>)
      %dma_wait3A_152 = arith.constant 0 : i32
      %dma_wait3A_153 = tpu.memref_slice %arg2[%dma_wait3A_152] : memref<3200000xf32, #tpu.memory_space<hbm>> -> memref<8192xf32, #tpu.memory_space<hbm>>
      %dma_wait3A_154 = arith.constant 0 : i32
      %dma_wait3A_155 = tpu.memref_slice %arg2[%dma_wait3A_154] : memref<3200000xf32, #tpu.memory_space<hbm>> -> memref<8192xf32, #tpu.memory_space<hbm>>
      tpu.wait_dma2 semaphore(%arg25 : memref<!tpu.dma_semaphore, #tpu.memory_space<semaphore_mem>>) src(%dma_wait3A_155 : memref<8192xf32, #tpu.memory_space<hbm>>) dst(%arg13 : memref<8192xf32, #tpu.memory_space<vmem>>)
      %dma_wait3A_156 = arith.constant 0 : i32
      %dma_wait3A_157 = tpu.memref_slice %arg5[%dma_wait3A_156] : memref<3200000xi32, #tpu.memory_space<hbm>> -> memref<8192xi32, #tpu.memory_space<hbm>>
      %dma_wait3A_158 = arith.constant 0 : i32
      %dma_wait3A_159 = tpu.memref_slice %arg5[%dma_wait3A_158] : memref<3200000xi32, #tpu.memory_space<hbm>> -> memref<8192xi32, #tpu.memory_space<hbm>>
      tpu.wait_dma2 semaphore(%arg25 : memref<!tpu.dma_semaphore, #tpu.memory_space<semaphore_mem>>) src(%dma_wait3A_159 : memref<8192xi32, #tpu.memory_space<hbm>>) dst(%arg15 : memref<8192xi32, #tpu.memory_space<vmem>>)
      %scan3A_160 = arith.constant 0 : i32
      %scan3A_161 = arith.constant 0 : i32
      %scan3A_162 = arith.constant 64 : i32
      %scan3A_163 = arith.addi %scan3A_161, %scan3A_162 : i32
      %scan3A_164 = arith.constant 1 : i32
      %scan3A_165 = scf.for %scan3A_181 = %scan3A_161 to %scan3A_163 step %scan3A_164 iter_args(%scan3A_182 = %scan3A_160) -> (i32)  : i32 {
        %mul3A_183 = arith.constant 8 : i32
        %mul3A_184 = arith.muli %scan3A_181, %mul3A_183 : i32
        %add3A_185 = arith.constant 0 : i32
        %add3A_186 = arith.addi %mul3A_184, %add3A_185 : i32
        %mul3A_187 = arith.constant 16 : i32
        %mul3A_188 = arith.muli %add3A_186, %mul3A_187 : i32
        %get3A = arith.index_cast %mul3A_188 : i32 to index
        %get3A_189 = tpu.vector_load %arg9[%get3A] {strides = array<i32>} : memref<8192xf32, #tpu.memory_space<vmem>>, vector<16xf32>,
        %get3A_190 = vector.shape_cast %get3A_189 : vector<16xf32> to vector<16xf32>
        %get3A_191 = arith.index_cast %mul3A_188 : i32 to index
        %get3A_192 = tpu.vector_load %arg11[%get3A_191] {strides = array<i32>} : memref<8192xf32, #tpu.memory_space<vmem>>, vector<16xf32>,
        %get3A_193 = vector.shape_cast %get3A_192 : vector<16xf32> to vector<16xf32>
        %get3A_194 = arith.index_cast %mul3A_188 : i32 to index
        %get3A_195 = tpu.vector_load %arg13[%get3A_194] {strides = array<i32>} : memref<8192xf32, #tpu.memory_space<vmem>>, vector<16xf32>,
        %get3A_196 = vector.shape_cast %get3A_195 : vector<16xf32> to vector<16xf32>
        %add3A_197 = arith.addf %get3A_193, %get3A_196 : vector<16xf32>
        %mul3A_198 = arith.mulf %get3A_190, %add3A_197 : vector<16xf32>
        %swap3A = arith.index_cast %mul3A_188 : i32 to index
        %swap3A_199 = tpu.vector_load %arg17[%swap3A] {strides = array<i32>} : memref<8192xf32, #tpu.memory_space<vmem>>, vector<16xf32>,
        %swap3A_200 = vector.shape_cast %swap3A_199 : vector<16xf32> to vector<16xf32>
        %swap3A_201 = vector.shape_cast %mul3A_198 : vector<16xf32> to vector<16xf32>
        tpu.vector_store %arg17[%swap3A], %swap3A_201 {strides = array<i32>} : memref<8192xf32, #tpu.memory_space<vmem>>, vector<16xf32>,
        %mul3A_202 = arith.constant 8 : i32
        %mul3A_203 = arith.muli %scan3A_181, %mul3A_202 : i32
        %add3A_204 = arith.constant 1 : i32
        %add3A_205 = arith.addi %mul3A_203, %add3A_204 : i32
        %mul3A_206 = arith.constant 16 : i32
        %mul3A_207 = arith.muli %add3A_205, %mul3A_206 : i32
        %get3A_208 = arith.index_cast %mul3A_207 : i32 to index
        %get3A_209 = tpu.vector_load %arg9[%get3A_208] {strides = array<i32>} : memref<8192xf32, #tpu.memory_space<vmem>>, vector<16xf32>,
        %get3A_210 = vector.shape_cast %get3A_209 : vector<16xf32> to vector<16xf32>
        %get3A_211 = arith.index_cast %mul3A_207 : i32 to index
        %get3A_212 = tpu.vector_load %arg11[%get3A_211] {strides = array<i32>} : memref<8192xf32, #tpu.memory_space<vmem>>, vector<16xf32>,
        %get3A_213 = vector.shape_cast %get3A_212 : vector<16xf32> to vector<16xf32>
        %get3A_214 = arith.index_cast %mul3A_207 : i32 to index
        %get3A_215 = tpu.vector_load %arg13[%get3A_214] {strides = array<i32>} : memref<8192xf32, #tpu.memory_space<vmem>>, vector<16xf32>,
        %get3A_216 = vector.shape_cast %get3A_215 : vector<16xf32> to vector<16xf32>
        %add3A_217 = arith.addf %get3A_213, %get3A_216 : vector<16xf32>
        %mul3A_218 = arith.mulf %get3A_210, %add3A_217 : vector<16xf32>
        %swap3A_219 = arith.index_cast %mul3A_207 : i32 to index
        %swap3A_220 = tpu.vector_load %arg17[%swap3A_219] {strides = array<i32>} : memref<8192xf32, #tpu.memory_space<vmem>>, vector<16xf32>,
        %swap3A_221 = vector.shape_cast %swap3A_220 : vector<16xf32> to vector<16xf32>
        %swap3A_222 = vector.shape_cast %mul3A_218 : vector<16xf32> to vector<16xf32>
        tpu.vector_store %arg17[%swap3A_219], %swap3A_222 {strides = array<i32>} : memref<8192xf32, #tpu.memory_space<vmem>>, vector<16xf32>,
        %mul3A_223 = arith.constant 8 : i32
        %mul3A_224 = arith.muli %scan3A_181, %mul3A_223 : i32
        %add3A_225 = arith.constant 2 : i32
        %add3A_226 = arith.addi %mul3A_224, %add3A_225 : i32
        %mul3A_227 = arith.constant 16 : i32
        %mul3A_228 = arith.muli %add3A_226, %mul3A_227 : i32
        %get3A_229 = arith.index_cast %mul3A_228 : i32 to index
        %get3A_230 = tpu.vector_load %arg9[%get3A_229] {strides = array<i32>} : memref<8192xf32, #tpu.memory_space<vmem>>, vector<16xf32>,
        %get3A_231 = vector.shape_cast %get3A_230 : vector<16xf32> to vector<16xf32>
        %get3A_232 = arith.index_cast %mul3A_228 : i32 to index
        %get3A_233 = tpu.vector_load %arg11[%get3A_232] {strides = array<i32>} : memref<8192xf32, #tpu.memory_space<vmem>>, vector<16xf32>,
        %get3A_234 = vector.shape_cast %get3A_233 : vector<16xf32> to vector<16xf32>
        %get3A_235 = arith.index_cast %mul3A_228 : i32 to index
        %get3A_236 = tpu.vector_load %arg13[%get3A_235] {strides = array<i32>} : memref<8192xf32, #tpu.memory_space<vmem>>, vector<16xf32>,
        %get3A_237 = vector.shape_cast %get3A_236 : vector<16xf32> to vector<16xf32>
        %add3A_238 = arith.addf %get3A_234, %get3A_237 : vector<16xf32>
        %mul3A_239 = arith.mulf %get3A_231, %add3A_238 : vector<16xf32>
        %swap3A_240 = arith.index_cast %mul3A_228 : i32 to index
        %swap3A_241 = tpu.vector_load %arg17[%swap3A_240] {strides = array<i32>} : memref<8192xf32, #tpu.memory_space<vmem>>, vector<16xf32>,
        %swap3A_242 = vector.shape_cast %swap3A_241 : vector<16xf32> to vector<16xf32>
        %swap3A_243 = vector.shape_cast %mul3A_239 : vector<16xf32> to vector<16xf32>
        tpu.vector_store %arg17[%swap3A_240], %swap3A_243 {strides = array<i32>} : memref<8192xf32, #tpu.memory_space<vmem>>, vector<16xf32>,
        %mul3A_244 = arith.constant 8 : i32
        %mul3A_245 = arith.muli %scan3A_181, %mul3A_244 : i32
        %add3A_246 = arith.constant 3 : i32
        %add3A_247 = arith.addi %mul3A_245, %add3A_246 : i32
        %mul3A_248 = arith.constant 16 : i32
        %mul3A_249 = arith.muli %add3A_247, %mul3A_248 : i32
        %get3A_250 = arith.index_cast %mul3A_249 : i32 to index
        %get3A_251 = tpu.vector_load %arg9[%get3A_250] {strides = array<i32>} : memref<8192xf32, #tpu.memory_space<vmem>>, vector<16xf32>,
        %get3A_252 = vector.shape_cast %get3A_251 : vector<16xf32> to vector<16xf32>
        %get3A_253 = arith.index_cast %mul3A_249 : i32 to index
        %get3A_254 = tpu.vector_load %arg11[%get3A_253] {strides = array<i32>} : memref<8192xf32, #tpu.memory_space<vmem>>, vector<16xf32>,
        %get3A_255 = vector.shape_cast %get3A_254 : vector<16xf32> to vector<16xf32>
        %get3A_256 = arith.index_cast %mul3A_249 : i32 to index
        %get3A_257 = tpu.vector_load %arg13[%get3A_256] {strides = array<i32>} : memref<8192xf32, #tpu.memory_space<vmem>>, vector<16xf32>,
        %get3A_258 = vector.shape_cast %get3A_257 : vector<16xf32> to vector<16xf32>
        %add3A_259 = arith.addf %get3A_255, %get3A_258 : vector<16xf32>
        %mul3A_260 = arith.mulf %get3A_252, %add3A_259 : vector<16xf32>
        %swap3A_261 = arith.index_cast %mul3A_249 : i32 to index
        %swap3A_262 = tpu.vector_load %arg17[%swap3A_261] {strides = array<i32>} : memref<8192xf32, #tpu.memory_space<vmem>>, vector<16xf32>,
        %swap3A_263 = vector.shape_cast %swap3A_262 : vector<16xf32> to vector<16xf32>
        %swap3A_264 = vector.shape_cast %mul3A_260 : vector<16xf32> to vector<16xf32>
        tpu.vector_store %arg17[%swap3A_261], %swap3A_264 {strides = array<i32>} : memref<8192xf32, #tpu.memory_space<vmem>>, vector<16xf32>,
        %mul3A_265 = arith.constant 8 : i32
        %mul3A_266 = arith.muli %scan3A_181, %mul3A_265 : i32
        %add3A_267 = arith.constant 4 : i32
        %add3A_268 = arith.addi %mul3A_266, %add3A_267 : i32
        %mul3A_269 = arith.constant 16 : i32
        %mul3A_270 = arith.muli %add3A_268, %mul3A_269 : i32
        %get3A_271 = arith.index_cast %mul3A_270 : i32 to index
        %get3A_272 = tpu.vector_load %arg9[%get3A_271] {strides = array<i32>} : memref<8192xf32, #tpu.memory_space<vmem>>, vector<16xf32>,
        %get3A_273 = vector.shape_cast %get3A_272 : vector<16xf32> to vector<16xf32>
        %get3A_274 = arith.index_cast %mul3A_270 : i32 to index
        %get3A_275 = tpu.vector_load %arg11[%get3A_274] {strides = array<i32>} : memref<8192xf32, #tpu.memory_space<vmem>>, vector<16xf32>,
        %get3A_276 = vector.shape_cast %get3A_275 : vector<16xf32> to vector<16xf32>
        %get3A_277 = arith.index_cast %mul3A_270 : i32 to index
        %get3A_278 = tpu.vector_load %arg13[%get3A_277] {strides = array<i32>} : memref<8192xf32, #tpu.memory_space<vmem>>, vector<16xf32>,
        %get3A_279 = vector.shape_cast %get3A_278 : vector<16xf32> to vector<16xf32>
        %add3A_280 = arith.addf %get3A_276, %get3A_279 : vector<16xf32>
        %mul3A_281 = arith.mulf %get3A_273, %add3A_280 : vector<16xf32>
        %swap3A_282 = arith.index_cast %mul3A_270 : i32 to index
        %swap3A_283 = tpu.vector_load %arg17[%swap3A_282] {strides = array<i32>} : memref<8192xf32, #tpu.memory_space<vmem>>, vector<16xf32>,
        %swap3A_284 = vector.shape_cast %swap3A_283 : vector<16xf32> to vector<16xf32>
        %swap3A_285 = vector.shape_cast %mul3A_281 : vector<16xf32> to vector<16xf32>
        tpu.vector_store %arg17[%swap3A_282], %swap3A_285 {strides = array<i32>} : memref<8192xf32, #tpu.memory_space<vmem>>, vector<16xf32>,
        %mul3A_286 = arith.constant 8 : i32
        %mul3A_287 = arith.muli %scan3A_181, %mul3A_286 : i32
        %add3A_288 = arith.constant 5 : i32
        %add3A_289 = arith.addi %mul3A_287, %add3A_288 : i32
        %mul3A_290 = arith.constant 16 : i32
        %mul3A_291 = arith.muli %add3A_289, %mul3A_290 : i32
        %get3A_292 = arith.index_cast %mul3A_291 : i32 to index
        %get3A_293 = tpu.vector_load %arg9[%get3A_292] {strides = array<i32>} : memref<8192xf32, #tpu.memory_space<vmem>>, vector<16xf32>,
        %get3A_294 = vector.shape_cast %get3A_293 : vector<16xf32> to vector<16xf32>
        %get3A_295 = arith.index_cast %mul3A_291 : i32 to index
        %get3A_296 = tpu.vector_load %arg11[%get3A_295] {strides = array<i32>} : memref<8192xf32, #tpu.memory_space<vmem>>, vector<16xf32>,
        %get3A_297 = vector.shape_cast %get3A_296 : vector<16xf32> to vector<16xf32>
        %get3A_298 = arith.index_cast %mul3A_291 : i32 to index
        %get3A_299 = tpu.vector_load %arg13[%get3A_298] {strides = array<i32>} : memref<8192xf32, #tpu.memory_space<vmem>>, vector<16xf32>,
        %get3A_300 = vector.shape_cast %get3A_299 : vector<16xf32> to vector<16xf32>
        %add3A_301 = arith.addf %get3A_297, %get3A_300 : vector<16xf32>
        %mul3A_302 = arith.mulf %get3A_294, %add3A_301 : vector<16xf32>
        %swap3A_303 = arith.index_cast %mul3A_291 : i32 to index
        %swap3A_304 = tpu.vector_load %arg17[%swap3A_303] {strides = array<i32>} : memref<8192xf32, #tpu.memory_space<vmem>>, vector<16xf32>,
        %swap3A_305 = vector.shape_cast %swap3A_304 : vector<16xf32> to vector<16xf32>
        %swap3A_306 = vector.shape_cast %mul3A_302 : vector<16xf32> to vector<16xf32>
        tpu.vector_store %arg17[%swap3A_303], %swap3A_306 {strides = array<i32>} : memref<8192xf32, #tpu.memory_space<vmem>>, vector<16xf32>,
        %mul3A_307 = arith.constant 8 : i32
        %mul3A_308 = arith.muli %scan3A_181, %mul3A_307 : i32
        %add3A_309 = arith.constant 6 : i32
        %add3A_310 = arith.addi %mul3A_308, %add3A_309 : i32
        %mul3A_311 = arith.constant 16 : i32
        %mul3A_312 = arith.muli %add3A_310, %mul3A_311 : i32
        %get3A_313 = arith.index_cast %mul3A_312 : i32 to index
        %get3A_314 = tpu.vector_load %arg9[%get3A_313] {strides = array<i32>} : memref<8192xf32, #tpu.memory_space<vmem>>, vector<16xf32>,
        %get3A_315 = vector.shape_cast %get3A_314 : vector<16xf32> to vector<16xf32>
        %get3A_316 = arith.index_cast %mul3A_312 : i32 to index
        %get3A_317 = tpu.vector_load %arg11[%get3A_316] {strides = array<i32>} : memref<8192xf32, #tpu.memory_space<vmem>>, vector<16xf32>,
        %get3A_318 = vector.shape_cast %get3A_317 : vector<16xf32> to vector<16xf32>
        %get3A_319 = arith.index_cast %mul3A_312 : i32 to index
        %get3A_320 = tpu.vector_load %arg13[%get3A_319] {strides = array<i32>} : memref<8192xf32, #tpu.memory_space<vmem>>, vector<16xf32>,
        %get3A_321 = vector.shape_cast %get3A_320 : vector<16xf32> to vector<16xf32>
        %add3A_322 = arith.addf %get3A_318, %get3A_321 : vector<16xf32>
        %mul3A_323 = arith.mulf %get3A_315, %add3A_322 : vector<16xf32>
        %swap3A_324 = arith.index_cast %mul3A_312 : i32 to index
        %swap3A_325 = tpu.vector_load %arg17[%swap3A_324] {strides = array<i32>} : memref<8192xf32, #tpu.memory_space<vmem>>, vector<16xf32>,
        %swap3A_326 = vector.shape_cast %swap3A_325 : vector<16xf32> to vector<16xf32>
        %swap3A_327 = vector.shape_cast %mul3A_323 : vector<16xf32> to vector<16xf32>
        tpu.vector_store %arg17[%swap3A_324], %swap3A_327 {strides = array<i32>} : memref<8192xf32, #tpu.memory_space<vmem>>, vector<16xf32>,
        %mul3A_328 = arith.constant 8 : i32
        %mul3A_329 = arith.muli %scan3A_181, %mul3A_328 : i32
        %add3A_330 = arith.constant 7 : i32
        %add3A_331 = arith.addi %mul3A_329, %add3A_330 : i32
        %mul3A_332 = arith.constant 16 : i32
        %mul3A_333 = arith.muli %add3A_331, %mul3A_332 : i32
        %get3A_334 = arith.index_cast %mul3A_333 : i32 to index
        %get3A_335 = tpu.vector_load %arg9[%get3A_334] {strides = array<i32>} : memref<8192xf32, #tpu.memory_space<vmem>>, vector<16xf32>,
        %get3A_336 = vector.shape_cast %get3A_335 : vector<16xf32> to vector<16xf32>
        %get3A_337 = arith.index_cast %mul3A_333 : i32 to index
        %get3A_338 = tpu.vector_load %arg11[%get3A_337] {strides = array<i32>} : memref<8192xf32, #tpu.memory_space<vmem>>, vector<16xf32>,
        %get3A_339 = vector.shape_cast %get3A_338 : vector<16xf32> to vector<16xf32>
        %get3A_340 = arith.index_cast %mul3A_333 : i32 to index
        %get3A_341 = tpu.vector_load %arg13[%get3A_340] {strides = array<i32>} : memref<8192xf32, #tpu.memory_space<vmem>>, vector<16xf32>,
        %get3A_342 = vector.shape_cast %get3A_341 : vector<16xf32> to vector<16xf32>
        %add3A_343 = arith.addf %get3A_339, %get3A_342 : vector<16xf32>
        %mul3A_344 = arith.mulf %get3A_336, %add3A_343 : vector<16xf32>
        %swap3A_345 = arith.index_cast %mul3A_333 : i32 to index
        %swap3A_346 = tpu.vector_load %arg17[%swap3A_345] {strides = array<i32>} : memref<8192xf32, #tpu.memory_space<vmem>>, vector<16xf32>,
        %swap3A_347 = vector.shape_cast %swap3A_346 : vector<16xf32> to vector<16xf32>
        %swap3A_348 = vector.shape_cast %mul3A_344 : vector<16xf32> to vector<16xf32>
        tpu.vector_store %arg17[%swap3A_345], %swap3A_348 {strides = array<i32>} : memref<8192xf32, #tpu.memory_space<vmem>>, vector<16xf32>,
        %scan3A_349 = arith.constant 0 : i32
        scf.yield %scan3A_349 : i32
      }
      %scan3A_166 = arith.constant 64 : i32
      "tpu.region"() ({
        %run_scoped3A = tpu.sem_alloc : memref<!tpu.dma_semaphore, #tpu.memory_space<semaphore_mem>>
        %dma_start3A_181 = arith.constant 0 : i32
        %dma_start3A_182 = tpu.memref_slice %arg23[%dma_start3A_181] : memref<100352xf32, #tpu.memory_space<vmem_shared>> -> memref<100352xf32, #tpu.memory_space<vmem_shared>>
        tpu.enqueue_indirect_dma source(%arg17 : memref<8192xf32, #tpu.memory_space<vmem>>) target(%dma_start3A_182 : memref<100352xf32, #tpu.memory_space<vmem_shared>>) offsets(%arg15 : memref<8192xi32, #tpu.memory_space<vmem>>) semaphore(%run_scoped3A : memref<!tpu.dma_semaphore, #tpu.memory_space<semaphore_mem>>) {add = true}
        %dma_wait3A_183 = arith.constant 0 : i32
        %dma_wait3A_184 = tpu.memref_slice %arg23[%dma_wait3A_183] : memref<100352xf32, #tpu.memory_space<vmem_shared>> -> memref<100352xf32, #tpu.memory_space<vmem_shared>>
        tpu.wait_indirect_dma semaphore(%run_scoped3A : memref<!tpu.dma_semaphore, #tpu.memory_space<semaphore_mem>>) src(%arg17 : memref<8192xf32, #tpu.memory_space<vmem>>) dst(%dma_wait3A_184 : memref<100352xf32, #tpu.memory_space<vmem_shared>>)
        tpu.yield
      }) : () -> ()
      %add3A_167 = arith.constant 2 : i32
      %add3A_168 = arith.addi %add3A_143, %add3A_167 : i32
      %mul3A_169 = arith.constant 8192 : i32
      %mul3A_170 = arith.muli %add3A_168, %mul3A_169 : i32
      %add3A_171 = arith.addi %mul3A_10, %mul3A_170 : i32
      %dma_start3A_172 = tpu.memref_slice %arg2[%add3A_171] : memref<3200000xf32, #tpu.memory_space<hbm>> -> memref<8192xf32, #tpu.memory_space<hbm>>
      %dma_start3A_173 = tpu.memref_slice %arg2[%add3A_171] : memref<3200000xf32, #tpu.memory_space<hbm>> -> memref<8192xf32, #tpu.memory_space<hbm>>
      tpu.enqueue_dma source(%dma_start3A_173 : memref<8192xf32, #tpu.memory_space<hbm>>) target(%arg9 : memref<8192xf32, #tpu.memory_space<vmem>>) target_semaphore(%arg25 : memref<!tpu.dma_semaphore, #tpu.memory_space<semaphore_mem>>)
      %dma_start3A_174 = tpu.memref_slice %arg3[%add3A_171] : memref<3200000xf32, #tpu.memory_space<hbm>> -> memref<8192xf32, #tpu.memory_space<hbm>>
      %dma_start3A_175 = tpu.memref_slice %arg3[%add3A_171] : memref<3200000xf32, #tpu.memory_space<hbm>> -> memref<8192xf32, #tpu.memory_space<hbm>>
      tpu.enqueue_dma source(%dma_start3A_175 : memref<8192xf32, #tpu.memory_space<hbm>>) target(%arg11 : memref<8192xf32, #tpu.memory_space<vmem>>) target_semaphore(%arg25 : memref<!tpu.dma_semaphore, #tpu.memory_space<semaphore_mem>>)
      %dma_start3A_176 = tpu.memref_slice %arg4[%add3A_171] : memref<3200000xf32, #tpu.memory_space<hbm>> -> memref<8192xf32, #tpu.memory_space<hbm>>
      %dma_start3A_177 = tpu.memref_slice %arg4[%add3A_171] : memref<3200000xf32, #tpu.memory_space<hbm>> -> memref<8192xf32, #tpu.memory_space<hbm>>
      tpu.enqueue_dma source(%dma_start3A_177 : memref<8192xf32, #tpu.memory_space<hbm>>) target(%arg13 : memref<8192xf32, #tpu.memory_space<vmem>>) target_semaphore(%arg25 : memref<!tpu.dma_semaphore, #tpu.memory_space<semaphore_mem>>)
      %dma_start3A_178 = tpu.memref_slice %arg5[%add3A_171] : memref<3200000xi32, #tpu.memory_space<hbm>> -> memref<8192xi32, #tpu.memory_space<hbm>>
      %dma_start3A_179 = tpu.memref_slice %arg5[%add3A_171] : memref<3200000xi32, #tpu.memory_space<hbm>> -> memref<8192xi32, #tpu.memory_space<hbm>>
      tpu.enqueue_dma source(%dma_start3A_179 : memref<8192xi32, #tpu.memory_space<hbm>>) target(%arg15 : memref<8192xi32, #tpu.memory_space<vmem>>) target_semaphore(%arg25 : memref<!tpu.dma_semaphore, #tpu.memory_space<semaphore_mem>>)
      %scan3A_180 = arith.constant 0 : i32
      scf.yield %scan3A_180 : i32
    }
    %scan3A_36 = arith.constant 5 : i32
    %dma_wait3A = arith.constant 0 : i32
    %dma_wait3A_37 = tpu.memref_slice %arg2[%dma_wait3A] : memref<3200000xf32, #tpu.memory_space<hbm>> -> memref<8192xf32, #tpu.memory_space<hbm>>
    %dma_wait3A_38 = arith.constant 0 : i32
    %dma_wait3A_39 = tpu.memref_slice %arg2[%dma_wait3A_38] : memref<3200000xf32, #tpu.memory_space<hbm>> -> memref<8192xf32, #tpu.memory_space<hbm>>
    tpu.wait_dma2 semaphore(%arg24 : memref<!tpu.dma_semaphore, #tpu.memory_space<semaphore_mem>>) src(%dma_wait3A_39 : memref<8192xf32, #tpu.memory_space<hbm>>) dst(%arg8 : memref<8192xf32, #tpu.memory_space<vmem>>)
    %dma_wait3A_40 = arith.constant 0 : i32
    %dma_wait3A_41 = tpu.memref_slice %arg2[%dma_wait3A_40] : memref<3200000xf32, #tpu.memory_space<hbm>> -> memref<8192xf32, #tpu.memory_space<hbm>>
    %dma_wait3A_42 = arith.constant 0 : i32
    %dma_wait3A_43 = tpu.memref_slice %arg2[%dma_wait3A_42] : memref<3200000xf32, #tpu.memory_space<hbm>> -> memref<8192xf32, #tpu.memory_space<hbm>>
    tpu.wait_dma2 semaphore(%arg24 : memref<!tpu.dma_semaphore, #tpu.memory_space<semaphore_mem>>) src(%dma_wait3A_43 : memref<8192xf32, #tpu.memory_space<hbm>>) dst(%arg10 : memref<8192xf32, #tpu.memory_space<vmem>>)
    %dma_wait3A_44 = arith.constant 0 : i32
    %dma_wait3A_45 = tpu.memref_slice %arg2[%dma_wait3A_44] : memref<3200000xf32, #tpu.memory_space<hbm>> -> memref<8192xf32, #tpu.memory_space<hbm>>
    %dma_wait3A_46 = arith.constant 0 : i32
    %dma_wait3A_47 = tpu.memref_slice %arg2[%dma_wait3A_46] : memref<3200000xf32, #tpu.memory_space<hbm>> -> memref<8192xf32, #tpu.memory_space<hbm>>
    tpu.wait_dma2 semaphore(%arg24 : memref<!tpu.dma_semaphore, #tpu.memory_space<semaphore_mem>>) src(%dma_wait3A_47 : memref<8192xf32, #tpu.memory_space<hbm>>) dst(%arg12 : memref<8192xf32, #tpu.memory_space<vmem>>)
    %dma_wait3A_48 = arith.constant 0 : i32
    %dma_wait3A_49 = tpu.memref_slice %arg5[%dma_wait3A_48] : memref<3200000xi32, #tpu.memory_space<hbm>> -> memref<8192xi32, #tpu.memory_space<hbm>>
    %dma_wait3A_50 = arith.constant 0 : i32
    %dma_wait3A_51 = tpu.memref_slice %arg5[%dma_wait3A_50] : memref<3200000xi32, #tpu.memory_space<hbm>> -> memref<8192xi32, #tpu.memory_space<hbm>>
    tpu.wait_dma2 semaphore(%arg24 : memref<!tpu.dma_semaphore, #tpu.memory_space<semaphore_mem>>) src(%dma_wait3A_51 : memref<8192xi32, #tpu.memory_space<hbm>>) dst(%arg14 : memref<8192xi32, #tpu.memory_space<vmem>>)
    %scan3A_52 = arith.constant 0 : i32
    %scan3A_53 = arith.constant 0 : i32
    %scan3A_54 = arith.constant 64 : i32
    %scan3A_55 = arith.addi %scan3A_53, %scan3A_54 : i32
    %scan3A_56 = arith.constant 1 : i32
    %scan3A_57 = scf.for %scan3A_98 = %scan3A_53 to %scan3A_55 step %scan3A_56 iter_args(%scan3A_99 = %scan3A_52) -> (i32)  : i32 {
      %mul3A_100 = arith.constant 8 : i32
      %mul3A_101 = arith.muli %scan3A_98, %mul3A_100 : i32
      %add3A_102 = arith.constant 0 : i32
      %add3A_103 = arith.addi %mul3A_101, %add3A_102 : i32
      %mul3A_104 = arith.constant 16 : i32
      %mul3A_105 = arith.muli %add3A_103, %mul3A_104 : i32
      %get3A = arith.index_cast %mul3A_105 : i32 to index
      %get3A_106 = tpu.vector_load %arg8[%get3A] {strides = array<i32>} : memref<8192xf32, #tpu.memory_space<vmem>>, vector<16xf32>,
      %get3A_107 = vector.shape_cast %get3A_106 : vector<16xf32> to vector<16xf32>
      %get3A_108 = arith.index_cast %mul3A_105 : i32 to index
      %get3A_109 = tpu.vector_load %arg10[%get3A_108] {strides = array<i32>} : memref<8192xf32, #tpu.memory_space<vmem>>, vector<16xf32>,
      %get3A_110 = vector.shape_cast %get3A_109 : vector<16xf32> to vector<16xf32>
      %get3A_111 = arith.index_cast %mul3A_105 : i32 to index
      %get3A_112 = tpu.vector_load %arg12[%get3A_111] {strides = array<i32>} : memref<8192xf32, #tpu.memory_space<vmem>>, vector<16xf32>,
      %get3A_113 = vector.shape_cast %get3A_112 : vector<16xf32> to vector<16xf32>
      %add3A_114 = arith.addf %get3A_110, %get3A_113 : vector<16xf32>
      %mul3A_115 = arith.mulf %get3A_107, %add3A_114 : vector<16xf32>
      %swap3A = arith.index_cast %mul3A_105 : i32 to index
      %swap3A_116 = tpu.vector_load %arg16[%swap3A] {strides = array<i32>} : memref<8192xf32, #tpu.memory_space<vmem>>, vector<16xf32>,
      %swap3A_117 = vector.shape_cast %swap3A_116 : vector<16xf32> to vector<16xf32>
      %swap3A_118 = vector.shape_cast %mul3A_115 : vector<16xf32> to vector<16xf32>
      tpu.vector_store %arg16[%swap3A], %swap3A_118 {strides = array<i32>} : memref<8192xf32, #tpu.memory_space<vmem>>, vector<16xf32>,
      %mul3A_119 = arith.constant 8 : i32
      %mul3A_120 = arith.muli %scan3A_98, %mul3A_119 : i32
      %add3A_121 = arith.constant 1 : i32
      %add3A_122 = arith.addi %mul3A_120, %add3A_121 : i32
      %mul3A_123 = arith.constant 16 : i32
      %mul3A_124 = arith.muli %add3A_122, %mul3A_123 : i32
      %get3A_125 = arith.index_cast %mul3A_124 : i32 to index
      %get3A_126 = tpu.vector_load %arg8[%get3A_125] {strides = array<i32>} : memref<8192xf32, #tpu.memory_space<vmem>>, vector<16xf32>,
      %get3A_127 = vector.shape_cast %get3A_126 : vector<16xf32> to vector<16xf32>
      %get3A_128 = arith.index_cast %mul3A_124 : i32 to index
      %get3A_129 = tpu.vector_load %arg10[%get3A_128] {strides = array<i32>} : memref<8192xf32, #tpu.memory_space<vmem>>, vector<16xf32>,
      %get3A_130 = vector.shape_cast %get3A_129 : vector<16xf32> to vector<16xf32>
      %get3A_131 = arith.index_cast %mul3A_124 : i32 to index
      %get3A_132 = tpu.vector_load %arg12[%get3A_131] {strides = array<i32>} : memref<8192xf32, #tpu.memory_space<vmem>>, vector<16xf32>,
      %get3A_133 = vector.shape_cast %get3A_132 : vector<16xf32> to vector<16xf32>
      %add3A_134 = arith.addf %get3A_130, %get3A_133 : vector<16xf32>
      %mul3A_135 = arith.mulf %get3A_127, %add3A_134 : vector<16xf32>
      %swap3A_136 = arith.index_cast %mul3A_124 : i32 to index
      %swap3A_137 = tpu.vector_load %arg16[%swap3A_136] {strides = array<i32>} : memref<8192xf32, #tpu.memory_space<vmem>>, vector<16xf32>,
      %swap3A_138 = vector.shape_cast %swap3A_137 : vector<16xf32> to vector<16xf32>
      %swap3A_139 = vector.shape_cast %mul3A_135 : vector<16xf32> to vector<16xf32>
      tpu.vector_store %arg16[%swap3A_136], %swap3A_139 {strides = array<i32>} : memref<8192xf32, #tpu.memory_space<vmem>>, vector<16xf32>,
      %mul3A_140 = arith.constant 8 : i32
      %mul3A_141 = arith.muli %scan3A_98, %mul3A_140 : i32
      %add3A_142 = arith.constant 2 : i32
      %add3A_143 = arith.addi %mul3A_141, %add3A_142 : i32
      %mul3A_144 = arith.constant 16 : i32
      %mul3A_145 = arith.muli %add3A_143, %mul3A_144 : i32
      %get3A_146 = arith.index_cast %mul3A_145 : i32 to index
      %get3A_147 = tpu.vector_load %arg8[%get3A_146] {strides = array<i32>} : memref<8192xf32, #tpu.memory_space<vmem>>, vector<16xf32>,
      %get3A_148 = vector.shape_cast %get3A_147 : vector<16xf32> to vector<16xf32>
      %get3A_149 = arith.index_cast %mul3A_145 : i32 to index
      %get3A_150 = tpu.vector_load %arg10[%get3A_149] {strides = array<i32>} : memref<8192xf32, #tpu.memory_space<vmem>>, vector<16xf32>,
      %get3A_151 = vector.shape_cast %get3A_150 : vector<16xf32> to vector<16xf32>
      %get3A_152 = arith.index_cast %mul3A_145 : i32 to index
      %get3A_153 = tpu.vector_load %arg12[%get3A_152] {strides = array<i32>} : memref<8192xf32, #tpu.memory_space<vmem>>, vector<16xf32>,
      %get3A_154 = vector.shape_cast %get3A_153 : vector<16xf32> to vector<16xf32>
      %add3A_155 = arith.addf %get3A_151, %get3A_154 : vector<16xf32>
      %mul3A_156 = arith.mulf %get3A_148, %add3A_155 : vector<16xf32>
      %swap3A_157 = arith.index_cast %mul3A_145 : i32 to index
      %swap3A_158 = tpu.vector_load %arg16[%swap3A_157] {strides = array<i32>} : memref<8192xf32, #tpu.memory_space<vmem>>, vector<16xf32>,
      %swap3A_159 = vector.shape_cast %swap3A_158 : vector<16xf32> to vector<16xf32>
      %swap3A_160 = vector.shape_cast %mul3A_156 : vector<16xf32> to vector<16xf32>
      tpu.vector_store %arg16[%swap3A_157], %swap3A_160 {strides = array<i32>} : memref<8192xf32, #tpu.memory_space<vmem>>, vector<16xf32>,
      %mul3A_161 = arith.constant 8 : i32
      %mul3A_162 = arith.muli %scan3A_98, %mul3A_161 : i32
      %add3A_163 = arith.constant 3 : i32
      %add3A_164 = arith.addi %mul3A_162, %add3A_163 : i32
      %mul3A_165 = arith.constant 16 : i32
      %mul3A_166 = arith.muli %add3A_164, %mul3A_165 : i32
      %get3A_167 = arith.index_cast %mul3A_166 : i32 to index
      %get3A_168 = tpu.vector_load %arg8[%get3A_167] {strides = array<i32>} : memref<8192xf32, #tpu.memory_space<vmem>>, vector<16xf32>,
      %get3A_169 = vector.shape_cast %get3A_168 : vector<16xf32> to vector<16xf32>
      %get3A_170 = arith.index_cast %mul3A_166 : i32 to index
      %get3A_171 = tpu.vector_load %arg10[%get3A_170] {strides = array<i32>} : memref<8192xf32, #tpu.memory_space<vmem>>, vector<16xf32>,
      %get3A_172 = vector.shape_cast %get3A_171 : vector<16xf32> to vector<16xf32>
      %get3A_173 = arith.index_cast %mul3A_166 : i32 to index
      %get3A_174 = tpu.vector_load %arg12[%get3A_173] {strides = array<i32>} : memref<8192xf32, #tpu.memory_space<vmem>>, vector<16xf32>,
      %get3A_175 = vector.shape_cast %get3A_174 : vector<16xf32> to vector<16xf32>
      %add3A_176 = arith.addf %get3A_172, %get3A_175 : vector<16xf32>
      %mul3A_177 = arith.mulf %get3A_169, %add3A_176 : vector<16xf32>
      %swap3A_178 = arith.index_cast %mul3A_166 : i32 to index
      %swap3A_179 = tpu.vector_load %arg16[%swap3A_178] {strides = array<i32>} : memref<8192xf32, #tpu.memory_space<vmem>>, vector<16xf32>,
      %swap3A_180 = vector.shape_cast %swap3A_179 : vector<16xf32> to vector<16xf32>
      %swap3A_181 = vector.shape_cast %mul3A_177 : vector<16xf32> to vector<16xf32>
      tpu.vector_store %arg16[%swap3A_178], %swap3A_181 {strides = array<i32>} : memref<8192xf32, #tpu.memory_space<vmem>>, vector<16xf32>,
      %mul3A_182 = arith.constant 8 : i32
      %mul3A_183 = arith.muli %scan3A_98, %mul3A_182 : i32
      %add3A_184 = arith.constant 4 : i32
      %add3A_185 = arith.addi %mul3A_183, %add3A_184 : i32
      %mul3A_186 = arith.constant 16 : i32
      %mul3A_187 = arith.muli %add3A_185, %mul3A_186 : i32
      %get3A_188 = arith.index_cast %mul3A_187 : i32 to index
      %get3A_189 = tpu.vector_load %arg8[%get3A_188] {strides = array<i32>} : memref<8192xf32, #tpu.memory_space<vmem>>, vector<16xf32>,
      %get3A_190 = vector.shape_cast %get3A_189 : vector<16xf32> to vector<16xf32>
      %get3A_191 = arith.index_cast %mul3A_187 : i32 to index
      %get3A_192 = tpu.vector_load %arg10[%get3A_191] {strides = array<i32>} : memref<8192xf32, #tpu.memory_space<vmem>>, vector<16xf32>,
      %get3A_193 = vector.shape_cast %get3A_192 : vector<16xf32> to vector<16xf32>
      %get3A_194 = arith.index_cast %mul3A_187 : i32 to index
      %get3A_195 = tpu.vector_load %arg12[%get3A_194] {strides = array<i32>} : memref<8192xf32, #tpu.memory_space<vmem>>, vector<16xf32>,
      %get3A_196 = vector.shape_cast %get3A_195 : vector<16xf32> to vector<16xf32>
      %add3A_197 = arith.addf %get3A_193, %get3A_196 : vector<16xf32>
      %mul3A_198 = arith.mulf %get3A_190, %add3A_197 : vector<16xf32>
      %swap3A_199 = arith.index_cast %mul3A_187 : i32 to index
      %swap3A_200 = tpu.vector_load %arg16[%swap3A_199] {strides = array<i32>} : memref<8192xf32, #tpu.memory_space<vmem>>, vector<16xf32>,
      %swap3A_201 = vector.shape_cast %swap3A_200 : vector<16xf32> to vector<16xf32>
      %swap3A_202 = vector.shape_cast %mul3A_198 : vector<16xf32> to vector<16xf32>
      tpu.vector_store %arg16[%swap3A_199], %swap3A_202 {strides = array<i32>} : memref<8192xf32, #tpu.memory_space<vmem>>, vector<16xf32>,
      %mul3A_203 = arith.constant 8 : i32
      %mul3A_204 = arith.muli %scan3A_98, %mul3A_203 : i32
      %add3A_205 = arith.constant 5 : i32
      %add3A_206 = arith.addi %mul3A_204, %add3A_205 : i32
      %mul3A_207 = arith.constant 16 : i32
      %mul3A_208 = arith.muli %add3A_206, %mul3A_207 : i32
      %get3A_209 = arith.index_cast %mul3A_208 : i32 to index
      %get3A_210 = tpu.vector_load %arg8[%get3A_209] {strides = array<i32>} : memref<8192xf32, #tpu.memory_space<vmem>>, vector<16xf32>,
      %get3A_211 = vector.shape_cast %get3A_210 : vector<16xf32> to vector<16xf32>
      %get3A_212 = arith.index_cast %mul3A_208 : i32 to index
      %get3A_213 = tpu.vector_load %arg10[%get3A_212] {strides = array<i32>} : memref<8192xf32, #tpu.memory_space<vmem>>, vector<16xf32>,
      %get3A_214 = vector.shape_cast %get3A_213 : vector<16xf32> to vector<16xf32>
      %get3A_215 = arith.index_cast %mul3A_208 : i32 to index
      %get3A_216 = tpu.vector_load %arg12[%get3A_215] {strides = array<i32>} : memref<8192xf32, #tpu.memory_space<vmem>>, vector<16xf32>,
      %get3A_217 = vector.shape_cast %get3A_216 : vector<16xf32> to vector<16xf32>
      %add3A_218 = arith.addf %get3A_214, %get3A_217 : vector<16xf32>
      %mul3A_219 = arith.mulf %get3A_211, %add3A_218 : vector<16xf32>
      %swap3A_220 = arith.index_cast %mul3A_208 : i32 to index
      %swap3A_221 = tpu.vector_load %arg16[%swap3A_220] {strides = array<i32>} : memref<8192xf32, #tpu.memory_space<vmem>>, vector<16xf32>,
      %swap3A_222 = vector.shape_cast %swap3A_221 : vector<16xf32> to vector<16xf32>
      %swap3A_223 = vector.shape_cast %mul3A_219 : vector<16xf32> to vector<16xf32>
      tpu.vector_store %arg16[%swap3A_220], %swap3A_223 {strides = array<i32>} : memref<8192xf32, #tpu.memory_space<vmem>>, vector<16xf32>,
      %mul3A_224 = arith.constant 8 : i32
      %mul3A_225 = arith.muli %scan3A_98, %mul3A_224 : i32
      %add3A_226 = arith.constant 6 : i32
      %add3A_227 = arith.addi %mul3A_225, %add3A_226 : i32
      %mul3A_228 = arith.constant 16 : i32
      %mul3A_229 = arith.muli %add3A_227, %mul3A_228 : i32
      %get3A_230 = arith.index_cast %mul3A_229 : i32 to index
      %get3A_231 = tpu.vector_load %arg8[%get3A_230] {strides = array<i32>} : memref<8192xf32, #tpu.memory_space<vmem>>, vector<16xf32>,
      %get3A_232 = vector.shape_cast %get3A_231 : vector<16xf32> to vector<16xf32>
      %get3A_233 = arith.index_cast %mul3A_229 : i32 to index
      %get3A_234 = tpu.vector_load %arg10[%get3A_233] {strides = array<i32>} : memref<8192xf32, #tpu.memory_space<vmem>>, vector<16xf32>,
      %get3A_235 = vector.shape_cast %get3A_234 : vector<16xf32> to vector<16xf32>
      %get3A_236 = arith.index_cast %mul3A_229 : i32 to index
      %get3A_237 = tpu.vector_load %arg12[%get3A_236] {strides = array<i32>} : memref<8192xf32, #tpu.memory_space<vmem>>, vector<16xf32>,
      %get3A_238 = vector.shape_cast %get3A_237 : vector<16xf32> to vector<16xf32>
      %add3A_239 = arith.addf %get3A_235, %get3A_238 : vector<16xf32>
      %mul3A_240 = arith.mulf %get3A_232, %add3A_239 : vector<16xf32>
      %swap3A_241 = arith.index_cast %mul3A_229 : i32 to index
      %swap3A_242 = tpu.vector_load %arg16[%swap3A_241] {strides = array<i32>} : memref<8192xf32, #tpu.memory_space<vmem>>, vector<16xf32>,
      %swap3A_243 = vector.shape_cast %swap3A_242 : vector<16xf32> to vector<16xf32>
      %swap3A_244 = vector.shape_cast %mul3A_240 : vector<16xf32> to vector<16xf32>
      tpu.vector_store %arg16[%swap3A_241], %swap3A_244 {strides = array<i32>} : memref<8192xf32, #tpu.memory_space<vmem>>, vector<16xf32>,
      %mul3A_245 = arith.constant 8 : i32
      %mul3A_246 = arith.muli %scan3A_98, %mul3A_245 : i32
      %add3A_247 = arith.constant 7 : i32
      %add3A_248 = arith.addi %mul3A_246, %add3A_247 : i32
      %mul3A_249 = arith.constant 16 : i32
      %mul3A_250 = arith.muli %add3A_248, %mul3A_249 : i32
      %get3A_251 = arith.index_cast %mul3A_250 : i32 to index
      %get3A_252 = tpu.vector_load %arg8[%get3A_251] {strides = array<i32>} : memref<8192xf32, #tpu.memory_space<vmem>>, vector<16xf32>,
      %get3A_253 = vector.shape_cast %get3A_252 : vector<16xf32> to vector<16xf32>
      %get3A_254 = arith.index_cast %mul3A_250 : i32 to index
      %get3A_255 = tpu.vector_load %arg10[%get3A_254] {strides = array<i32>} : memref<8192xf32, #tpu.memory_space<vmem>>, vector<16xf32>,
      %get3A_256 = vector.shape_cast %get3A_255 : vector<16xf32> to vector<16xf32>
      %get3A_257 = arith.index_cast %mul3A_250 : i32 to index
      %get3A_258 = tpu.vector_load %arg12[%get3A_257] {strides = array<i32>} : memref<8192xf32, #tpu.memory_space<vmem>>, vector<16xf32>,
      %get3A_259 = vector.shape_cast %get3A_258 : vector<16xf32> to vector<16xf32>
      %add3A_260 = arith.addf %get3A_256, %get3A_259 : vector<16xf32>
      %mul3A_261 = arith.mulf %get3A_253, %add3A_260 : vector<16xf32>
      %swap3A_262 = arith.index_cast %mul3A_250 : i32 to index
      %swap3A_263 = tpu.vector_load %arg16[%swap3A_262] {strides = array<i32>} : memref<8192xf32, #tpu.memory_space<vmem>>, vector<16xf32>,
      %swap3A_264 = vector.shape_cast %swap3A_263 : vector<16xf32> to vector<16xf32>
      %swap3A_265 = vector.shape_cast %mul3A_261 : vector<16xf32> to vector<16xf32>
      tpu.vector_store %arg16[%swap3A_262], %swap3A_265 {strides = array<i32>} : memref<8192xf32, #tpu.memory_space<vmem>>, vector<16xf32>,
      %scan3A_266 = arith.constant 0 : i32
      scf.yield %scan3A_266 : i32
    }
    %scan3A_58 = arith.constant 64 : i32
    "tpu.region"() ({
      %run_scoped3A = tpu.sem_alloc : memref<!tpu.dma_semaphore, #tpu.memory_space<semaphore_mem>>
      %dma_start3A_98 = arith.constant 0 : i32
      %dma_start3A_99 = tpu.memref_slice %arg23[%dma_start3A_98] : memref<100352xf32, #tpu.memory_space<vmem_shared>> -> memref<100352xf32, #tpu.memory_space<vmem_shared>>
      tpu.enqueue_indirect_dma source(%arg16 : memref<8192xf32, #tpu.memory_space<vmem>>) target(%dma_start3A_99 : memref<100352xf32, #tpu.memory_space<vmem_shared>>) offsets(%arg14 : memref<8192xi32, #tpu.memory_space<vmem>>) semaphore(%run_scoped3A : memref<!tpu.dma_semaphore, #tpu.memory_space<semaphore_mem>>) {add = true}
      %dma_wait3A_100 = arith.constant 0 : i32
      %dma_wait3A_101 = tpu.memref_slice %arg23[%dma_wait3A_100] : memref<100352xf32, #tpu.memory_space<vmem_shared>> -> memref<100352xf32, #tpu.memory_space<vmem_shared>>
      tpu.wait_indirect_dma semaphore(%run_scoped3A : memref<!tpu.dma_semaphore, #tpu.memory_space<semaphore_mem>>) src(%arg16 : memref<8192xf32, #tpu.memory_space<vmem>>) dst(%dma_wait3A_101 : memref<100352xf32, #tpu.memory_space<vmem_shared>>)
      tpu.yield
    }) : () -> ()
    %dma_wait3A_59 = arith.constant 0 : i32
    %dma_wait3A_60 = tpu.memref_slice %arg2[%dma_wait3A_59] : memref<3200000xf32, #tpu.memory_space<hbm>> -> memref<8192xf32, #tpu.memory_space<hbm>>
    %dma_wait3A_61 = arith.constant 0 : i32
    %dma_wait3A_62 = tpu.memref_slice %arg2[%dma_wait3A_61] : memref<3200000xf32, #tpu.memory_space<hbm>> -> memref<8192xf32, #tpu.memory_space<hbm>>
    tpu.wait_dma2 semaphore(%arg25 : memref<!tpu.dma_semaphore, #tpu.memory_space<semaphore_mem>>) src(%dma_wait3A_62 : memref<8192xf32, #tpu.memory_space<hbm>>) dst(%arg9 : memref<8192xf32, #tpu.memory_space<vmem>>)
    %dma_wait3A_63 = arith.constant 0 : i32
    %dma_wait3A_64 = tpu.memref_slice %arg2[%dma_wait3A_63] : memref<3200000xf32, #tpu.memory_space<hbm>> -> memref<8192xf32, #tpu.memory_space<hbm>>
    %dma_wait3A_65 = arith.constant 0 : i32
    %dma_wait3A_66 = tpu.memref_slice %arg2[%dma_wait3A_65] : memref<3200000xf32, #tpu.memory_space<hbm>> -> memref<8192xf32, #tpu.memory_space<hbm>>
    tpu.wait_dma2 semaphore(%arg25 : memref<!tpu.dma_semaphore, #tpu.memory_space<semaphore_mem>>) src(%dma_wait3A_66 : memref<8192xf32, #tpu.memory_space<hbm>>) dst(%arg11 : memref<8192xf32, #tpu.memory_space<vmem>>)
    %dma_wait3A_67 = arith.constant 0 : i32
    %dma_wait3A_68 = tpu.memref_slice %arg2[%dma_wait3A_67] : memref<3200000xf32, #tpu.memory_space<hbm>> -> memref<8192xf32, #tpu.memory_space<hbm>>
    %dma_wait3A_69 = arith.constant 0 : i32
    %dma_wait3A_70 = tpu.memref_slice %arg2[%dma_wait3A_69] : memref<3200000xf32, #tpu.memory_space<hbm>> -> memref<8192xf32, #tpu.memory_space<hbm>>
    tpu.wait_dma2 semaphore(%arg25 : memref<!tpu.dma_semaphore, #tpu.memory_space<semaphore_mem>>) src(%dma_wait3A_70 : memref<8192xf32, #tpu.memory_space<hbm>>) dst(%arg13 : memref<8192xf32, #tpu.memory_space<vmem>>)
    %dma_wait3A_71 = arith.constant 0 : i32
    %dma_wait3A_72 = tpu.memref_slice %arg5[%dma_wait3A_71] : memref<3200000xi32, #tpu.memory_space<hbm>> -> memref<8192xi32, #tpu.memory_space<hbm>>
    %dma_wait3A_73 = arith.constant 0 : i32
    %dma_wait3A_74 = tpu.memref_slice %arg5[%dma_wait3A_73] : memref<3200000xi32, #tpu.memory_space<hbm>> -> memref<8192xi32, #tpu.memory_space<hbm>>
    tpu.wait_dma2 semaphore(%arg25 : memref<!tpu.dma_semaphore, #tpu.memory_space<semaphore_mem>>) src(%dma_wait3A_74 : memref<8192xi32, #tpu.memory_space<hbm>>) dst(%arg15 : memref<8192xi32, #tpu.memory_space<vmem>>)
    %scan3A_75 = arith.constant 0 : i32
    %scan3A_76 = arith.constant 0 : i32
    %scan3A_77 = arith.constant 64 : i32
    %scan3A_78 = arith.addi %scan3A_76, %scan3A_77 : i32
    %scan3A_79 = arith.constant 1 : i32
    %scan3A_80 = scf.for %scan3A_98 = %scan3A_76 to %scan3A_78 step %scan3A_79 iter_args(%scan3A_99 = %scan3A_75) -> (i32)  : i32 {
      %mul3A_100 = arith.constant 8 : i32
      %mul3A_101 = arith.muli %scan3A_98, %mul3A_100 : i32
      %add3A_102 = arith.constant 0 : i32
      %add3A_103 = arith.addi %mul3A_101, %add3A_102 : i32
      %mul3A_104 = arith.constant 16 : i32
      %mul3A_105 = arith.muli %add3A_103, %mul3A_104 : i32
      %get3A = arith.index_cast %mul3A_105 : i32 to index
      %get3A_106 = tpu.vector_load %arg9[%get3A] {strides = array<i32>} : memref<8192xf32, #tpu.memory_space<vmem>>, vector<16xf32>,
      %get3A_107 = vector.shape_cast %get3A_106 : vector<16xf32> to vector<16xf32>
      %get3A_108 = arith.index_cast %mul3A_105 : i32 to index
      %get3A_109 = tpu.vector_load %arg11[%get3A_108] {strides = array<i32>} : memref<8192xf32, #tpu.memory_space<vmem>>, vector<16xf32>,
      %get3A_110 = vector.shape_cast %get3A_109 : vector<16xf32> to vector<16xf32>
      %get3A_111 = arith.index_cast %mul3A_105 : i32 to index
      %get3A_112 = tpu.vector_load %arg13[%get3A_111] {strides = array<i32>} : memref<8192xf32, #tpu.memory_space<vmem>>, vector<16xf32>,
      %get3A_113 = vector.shape_cast %get3A_112 : vector<16xf32> to vector<16xf32>
      %add3A_114 = arith.addf %get3A_110, %get3A_113 : vector<16xf32>
      %mul3A_115 = arith.mulf %get3A_107, %add3A_114 : vector<16xf32>
      %swap3A = arith.index_cast %mul3A_105 : i32 to index
      %swap3A_116 = tpu.vector_load %arg17[%swap3A] {strides = array<i32>} : memref<8192xf32, #tpu.memory_space<vmem>>, vector<16xf32>,
      %swap3A_117 = vector.shape_cast %swap3A_116 : vector<16xf32> to vector<16xf32>
      %swap3A_118 = vector.shape_cast %mul3A_115 : vector<16xf32> to vector<16xf32>
      tpu.vector_store %arg17[%swap3A], %swap3A_118 {strides = array<i32>} : memref<8192xf32, #tpu.memory_space<vmem>>, vector<16xf32>,
      %mul3A_119 = arith.constant 8 : i32
      %mul3A_120 = arith.muli %scan3A_98, %mul3A_119 : i32
      %add3A_121 = arith.constant 1 : i32
      %add3A_122 = arith.addi %mul3A_120, %add3A_121 : i32
      %mul3A_123 = arith.constant 16 : i32
      %mul3A_124 = arith.muli %add3A_122, %mul3A_123 : i32
      %get3A_125 = arith.index_cast %mul3A_124 : i32 to index
      %get3A_126 = tpu.vector_load %arg9[%get3A_125] {strides = array<i32>} : memref<8192xf32, #tpu.memory_space<vmem>>, vector<16xf32>,
      %get3A_127 = vector.shape_cast %get3A_126 : vector<16xf32> to vector<16xf32>
      %get3A_128 = arith.index_cast %mul3A_124 : i32 to index
      %get3A_129 = tpu.vector_load %arg11[%get3A_128] {strides = array<i32>} : memref<8192xf32, #tpu.memory_space<vmem>>, vector<16xf32>,
      %get3A_130 = vector.shape_cast %get3A_129 : vector<16xf32> to vector<16xf32>
      %get3A_131 = arith.index_cast %mul3A_124 : i32 to index
      %get3A_132 = tpu.vector_load %arg13[%get3A_131] {strides = array<i32>} : memref<8192xf32, #tpu.memory_space<vmem>>, vector<16xf32>,
      %get3A_133 = vector.shape_cast %get3A_132 : vector<16xf32> to vector<16xf32>
      %add3A_134 = arith.addf %get3A_130, %get3A_133 : vector<16xf32>
      %mul3A_135 = arith.mulf %get3A_127, %add3A_134 : vector<16xf32>
      %swap3A_136 = arith.index_cast %mul3A_124 : i32 to index
      %swap3A_137 = tpu.vector_load %arg17[%swap3A_136] {strides = array<i32>} : memref<8192xf32, #tpu.memory_space<vmem>>, vector<16xf32>,
      %swap3A_138 = vector.shape_cast %swap3A_137 : vector<16xf32> to vector<16xf32>
      %swap3A_139 = vector.shape_cast %mul3A_135 : vector<16xf32> to vector<16xf32>
      tpu.vector_store %arg17[%swap3A_136], %swap3A_139 {strides = array<i32>} : memref<8192xf32, #tpu.memory_space<vmem>>, vector<16xf32>,
      %mul3A_140 = arith.constant 8 : i32
      %mul3A_141 = arith.muli %scan3A_98, %mul3A_140 : i32
      %add3A_142 = arith.constant 2 : i32
      %add3A_143 = arith.addi %mul3A_141, %add3A_142 : i32
      %mul3A_144 = arith.constant 16 : i32
      %mul3A_145 = arith.muli %add3A_143, %mul3A_144 : i32
      %get3A_146 = arith.index_cast %mul3A_145 : i32 to index
      %get3A_147 = tpu.vector_load %arg9[%get3A_146] {strides = array<i32>} : memref<8192xf32, #tpu.memory_space<vmem>>, vector<16xf32>,
      %get3A_148 = vector.shape_cast %get3A_147 : vector<16xf32> to vector<16xf32>
      %get3A_149 = arith.index_cast %mul3A_145 : i32 to index
      %get3A_150 = tpu.vector_load %arg11[%get3A_149] {strides = array<i32>} : memref<8192xf32, #tpu.memory_space<vmem>>, vector<16xf32>,
      %get3A_151 = vector.shape_cast %get3A_150 : vector<16xf32> to vector<16xf32>
      %get3A_152 = arith.index_cast %mul3A_145 : i32 to index
      %get3A_153 = tpu.vector_load %arg13[%get3A_152] {strides = array<i32>} : memref<8192xf32, #tpu.memory_space<vmem>>, vector<16xf32>,
      %get3A_154 = vector.shape_cast %get3A_153 : vector<16xf32> to vector<16xf32>
      %add3A_155 = arith.addf %get3A_151, %get3A_154 : vector<16xf32>
      %mul3A_156 = arith.mulf %get3A_148, %add3A_155 : vector<16xf32>
      %swap3A_157 = arith.index_cast %mul3A_145 : i32 to index
      %swap3A_158 = tpu.vector_load %arg17[%swap3A_157] {strides = array<i32>} : memref<8192xf32, #tpu.memory_space<vmem>>, vector<16xf32>,
      %swap3A_159 = vector.shape_cast %swap3A_158 : vector<16xf32> to vector<16xf32>
      %swap3A_160 = vector.shape_cast %mul3A_156 : vector<16xf32> to vector<16xf32>
      tpu.vector_store %arg17[%swap3A_157], %swap3A_160 {strides = array<i32>} : memref<8192xf32, #tpu.memory_space<vmem>>, vector<16xf32>,
      %mul3A_161 = arith.constant 8 : i32
      %mul3A_162 = arith.muli %scan3A_98, %mul3A_161 : i32
      %add3A_163 = arith.constant 3 : i32
      %add3A_164 = arith.addi %mul3A_162, %add3A_163 : i32
      %mul3A_165 = arith.constant 16 : i32
      %mul3A_166 = arith.muli %add3A_164, %mul3A_165 : i32
      %get3A_167 = arith.index_cast %mul3A_166 : i32 to index
      %get3A_168 = tpu.vector_load %arg9[%get3A_167] {strides = array<i32>} : memref<8192xf32, #tpu.memory_space<vmem>>, vector<16xf32>,
      %get3A_169 = vector.shape_cast %get3A_168 : vector<16xf32> to vector<16xf32>
      %get3A_170 = arith.index_cast %mul3A_166 : i32 to index
      %get3A_171 = tpu.vector_load %arg11[%get3A_170] {strides = array<i32>} : memref<8192xf32, #tpu.memory_space<vmem>>, vector<16xf32>,
      %get3A_172 = vector.shape_cast %get3A_171 : vector<16xf32> to vector<16xf32>
      %get3A_173 = arith.index_cast %mul3A_166 : i32 to index
      %get3A_174 = tpu.vector_load %arg13[%get3A_173] {strides = array<i32>} : memref<8192xf32, #tpu.memory_space<vmem>>, vector<16xf32>,
      %get3A_175 = vector.shape_cast %get3A_174 : vector<16xf32> to vector<16xf32>
      %add3A_176 = arith.addf %get3A_172, %get3A_175 : vector<16xf32>
      %mul3A_177 = arith.mulf %get3A_169, %add3A_176 : vector<16xf32>
      %swap3A_178 = arith.index_cast %mul3A_166 : i32 to index
      %swap3A_179 = tpu.vector_load %arg17[%swap3A_178] {strides = array<i32>} : memref<8192xf32, #tpu.memory_space<vmem>>, vector<16xf32>,
      %swap3A_180 = vector.shape_cast %swap3A_179 : vector<16xf32> to vector<16xf32>
      %swap3A_181 = vector.shape_cast %mul3A_177 : vector<16xf32> to vector<16xf32>
      tpu.vector_store %arg17[%swap3A_178], %swap3A_181 {strides = array<i32>} : memref<8192xf32, #tpu.memory_space<vmem>>, vector<16xf32>,
      %mul3A_182 = arith.constant 8 : i32
      %mul3A_183 = arith.muli %scan3A_98, %mul3A_182 : i32
      %add3A_184 = arith.constant 4 : i32
      %add3A_185 = arith.addi %mul3A_183, %add3A_184 : i32
      %mul3A_186 = arith.constant 16 : i32
      %mul3A_187 = arith.muli %add3A_185, %mul3A_186 : i32
      %get3A_188 = arith.index_cast %mul3A_187 : i32 to index
      %get3A_189 = tpu.vector_load %arg9[%get3A_188] {strides = array<i32>} : memref<8192xf32, #tpu.memory_space<vmem>>, vector<16xf32>,
      %get3A_190 = vector.shape_cast %get3A_189 : vector<16xf32> to vector<16xf32>
      %get3A_191 = arith.index_cast %mul3A_187 : i32 to index
      %get3A_192 = tpu.vector_load %arg11[%get3A_191] {strides = array<i32>} : memref<8192xf32, #tpu.memory_space<vmem>>, vector<16xf32>,
      %get3A_193 = vector.shape_cast %get3A_192 : vector<16xf32> to vector<16xf32>
      %get3A_194 = arith.index_cast %mul3A_187 : i32 to index
      %get3A_195 = tpu.vector_load %arg13[%get3A_194] {strides = array<i32>} : memref<8192xf32, #tpu.memory_space<vmem>>, vector<16xf32>,
      %get3A_196 = vector.shape_cast %get3A_195 : vector<16xf32> to vector<16xf32>
      %add3A_197 = arith.addf %get3A_193, %get3A_196 : vector<16xf32>
      %mul3A_198 = arith.mulf %get3A_190, %add3A_197 : vector<16xf32>
      %swap3A_199 = arith.index_cast %mul3A_187 : i32 to index
      %swap3A_200 = tpu.vector_load %arg17[%swap3A_199] {strides = array<i32>} : memref<8192xf32, #tpu.memory_space<vmem>>, vector<16xf32>,
      %swap3A_201 = vector.shape_cast %swap3A_200 : vector<16xf32> to vector<16xf32>
      %swap3A_202 = vector.shape_cast %mul3A_198 : vector<16xf32> to vector<16xf32>
      tpu.vector_store %arg17[%swap3A_199], %swap3A_202 {strides = array<i32>} : memref<8192xf32, #tpu.memory_space<vmem>>, vector<16xf32>,
      %mul3A_203 = arith.constant 8 : i32
      %mul3A_204 = arith.muli %scan3A_98, %mul3A_203 : i32
      %add3A_205 = arith.constant 5 : i32
      %add3A_206 = arith.addi %mul3A_204, %add3A_205 : i32
      %mul3A_207 = arith.constant 16 : i32
      %mul3A_208 = arith.muli %add3A_206, %mul3A_207 : i32
      %get3A_209 = arith.index_cast %mul3A_208 : i32 to index
      %get3A_210 = tpu.vector_load %arg9[%get3A_209] {strides = array<i32>} : memref<8192xf32, #tpu.memory_space<vmem>>, vector<16xf32>,
      %get3A_211 = vector.shape_cast %get3A_210 : vector<16xf32> to vector<16xf32>
      %get3A_212 = arith.index_cast %mul3A_208 : i32 to index
      %get3A_213 = tpu.vector_load %arg11[%get3A_212] {strides = array<i32>} : memref<8192xf32, #tpu.memory_space<vmem>>, vector<16xf32>,
      %get3A_214 = vector.shape_cast %get3A_213 : vector<16xf32> to vector<16xf32>
      %get3A_215 = arith.index_cast %mul3A_208 : i32 to index
      %get3A_216 = tpu.vector_load %arg13[%get3A_215] {strides = array<i32>} : memref<8192xf32, #tpu.memory_space<vmem>>, vector<16xf32>,
      %get3A_217 = vector.shape_cast %get3A_216 : vector<16xf32> to vector<16xf32>
      %add3A_218 = arith.addf %get3A_214, %get3A_217 : vector<16xf32>
      %mul3A_219 = arith.mulf %get3A_211, %add3A_218 : vector<16xf32>
      %swap3A_220 = arith.index_cast %mul3A_208 : i32 to index
      %swap3A_221 = tpu.vector_load %arg17[%swap3A_220] {strides = array<i32>} : memref<8192xf32, #tpu.memory_space<vmem>>, vector<16xf32>,
      %swap3A_222 = vector.shape_cast %swap3A_221 : vector<16xf32> to vector<16xf32>
      %swap3A_223 = vector.shape_cast %mul3A_219 : vector<16xf32> to vector<16xf32>
      tpu.vector_store %arg17[%swap3A_220], %swap3A_223 {strides = array<i32>} : memref<8192xf32, #tpu.memory_space<vmem>>, vector<16xf32>,
      %mul3A_224 = arith.constant 8 : i32
      %mul3A_225 = arith.muli %scan3A_98, %mul3A_224 : i32
      %add3A_226 = arith.constant 6 : i32
      %add3A_227 = arith.addi %mul3A_225, %add3A_226 : i32
      %mul3A_228 = arith.constant 16 : i32
      %mul3A_229 = arith.muli %add3A_227, %mul3A_228 : i32
      %get3A_230 = arith.index_cast %mul3A_229 : i32 to index
      %get3A_231 = tpu.vector_load %arg9[%get3A_230] {strides = array<i32>} : memref<8192xf32, #tpu.memory_space<vmem>>, vector<16xf32>,
      %get3A_232 = vector.shape_cast %get3A_231 : vector<16xf32> to vector<16xf32>
      %get3A_233 = arith.index_cast %mul3A_229 : i32 to index
      %get3A_234 = tpu.vector_load %arg11[%get3A_233] {strides = array<i32>} : memref<8192xf32, #tpu.memory_space<vmem>>, vector<16xf32>,
      %get3A_235 = vector.shape_cast %get3A_234 : vector<16xf32> to vector<16xf32>
      %get3A_236 = arith.index_cast %mul3A_229 : i32 to index
      %get3A_237 = tpu.vector_load %arg13[%get3A_236] {strides = array<i32>} : memref<8192xf32, #tpu.memory_space<vmem>>, vector<16xf32>,
      %get3A_238 = vector.shape_cast %get3A_237 : vector<16xf32> to vector<16xf32>
      %add3A_239 = arith.addf %get3A_235, %get3A_238 : vector<16xf32>
      %mul3A_240 = arith.mulf %get3A_232, %add3A_239 : vector<16xf32>
      %swap3A_241 = arith.index_cast %mul3A_229 : i32 to index
      %swap3A_242 = tpu.vector_load %arg17[%swap3A_241] {strides = array<i32>} : memref<8192xf32, #tpu.memory_space<vmem>>, vector<16xf32>,
      %swap3A_243 = vector.shape_cast %swap3A_242 : vector<16xf32> to vector<16xf32>
      %swap3A_244 = vector.shape_cast %mul3A_240 : vector<16xf32> to vector<16xf32>
      tpu.vector_store %arg17[%swap3A_241], %swap3A_244 {strides = array<i32>} : memref<8192xf32, #tpu.memory_space<vmem>>, vector<16xf32>,
      %mul3A_245 = arith.constant 8 : i32
      %mul3A_246 = arith.muli %scan3A_98, %mul3A_245 : i32
      %add3A_247 = arith.constant 7 : i32
      %add3A_248 = arith.addi %mul3A_246, %add3A_247 : i32
      %mul3A_249 = arith.constant 16 : i32
      %mul3A_250 = arith.muli %add3A_248, %mul3A_249 : i32
      %get3A_251 = arith.index_cast %mul3A_250 : i32 to index
      %get3A_252 = tpu.vector_load %arg9[%get3A_251] {strides = array<i32>} : memref<8192xf32, #tpu.memory_space<vmem>>, vector<16xf32>,
      %get3A_253 = vector.shape_cast %get3A_252 : vector<16xf32> to vector<16xf32>
      %get3A_254 = arith.index_cast %mul3A_250 : i32 to index
      %get3A_255 = tpu.vector_load %arg11[%get3A_254] {strides = array<i32>} : memref<8192xf32, #tpu.memory_space<vmem>>, vector<16xf32>,
      %get3A_256 = vector.shape_cast %get3A_255 : vector<16xf32> to vector<16xf32>
      %get3A_257 = arith.index_cast %mul3A_250 : i32 to index
      %get3A_258 = tpu.vector_load %arg13[%get3A_257] {strides = array<i32>} : memref<8192xf32, #tpu.memory_space<vmem>>, vector<16xf32>,
      %get3A_259 = vector.shape_cast %get3A_258 : vector<16xf32> to vector<16xf32>
      %add3A_260 = arith.addf %get3A_256, %get3A_259 : vector<16xf32>
      %mul3A_261 = arith.mulf %get3A_253, %add3A_260 : vector<16xf32>
      %swap3A_262 = arith.index_cast %mul3A_250 : i32 to index
      %swap3A_263 = tpu.vector_load %arg17[%swap3A_262] {strides = array<i32>} : memref<8192xf32, #tpu.memory_space<vmem>>, vector<16xf32>,
      %swap3A_264 = vector.shape_cast %swap3A_263 : vector<16xf32> to vector<16xf32>
      %swap3A_265 = vector.shape_cast %mul3A_261 : vector<16xf32> to vector<16xf32>
      tpu.vector_store %arg17[%swap3A_262], %swap3A_265 {strides = array<i32>} : memref<8192xf32, #tpu.memory_space<vmem>>, vector<16xf32>,
      %scan3A_266 = arith.constant 0 : i32
      scf.yield %scan3A_266 : i32
    }
    %scan3A_81 = arith.constant 64 : i32
    "tpu.region"() ({
      %run_scoped3A = tpu.sem_alloc : memref<!tpu.dma_semaphore, #tpu.memory_space<semaphore_mem>>
      %dma_start3A_98 = arith.constant 0 : i32
      %dma_start3A_99 = tpu.memref_slice %arg23[%dma_start3A_98] : memref<100352xf32, #tpu.memory_space<vmem_shared>> -> memref<100352xf32, #tpu.memory_space<vmem_shared>>
      tpu.enqueue_indirect_dma source(%arg17 : memref<8192xf32, #tpu.memory_space<vmem>>) target(%dma_start3A_99 : memref<100352xf32, #tpu.memory_space<vmem_shared>>) offsets(%arg15 : memref<8192xi32, #tpu.memory_space<vmem>>) semaphore(%run_scoped3A : memref<!tpu.dma_semaphore, #tpu.memory_space<semaphore_mem>>) {add = true}
      %dma_wait3A_100 = arith.constant 0 : i32
      %dma_wait3A_101 = tpu.memref_slice %arg23[%dma_wait3A_100] : memref<100352xf32, #tpu.memory_space<vmem_shared>> -> memref<100352xf32, #tpu.memory_space<vmem_shared>>
      tpu.wait_indirect_dma semaphore(%run_scoped3A : memref<!tpu.dma_semaphore, #tpu.memory_space<semaphore_mem>>) src(%arg17 : memref<8192xf32, #tpu.memory_space<vmem>>) dst(%dma_wait3A_101 : memref<100352xf32, #tpu.memory_space<vmem_shared>>)
      tpu.yield
    }) : () -> ()
    %add3A_82 = arith.constant 98304 : i32
    %add3A_83 = arith.addi %mul3A_10, %add3A_82 : i32
    "tpu.region"() ({
      %run_scoped3A = tpu.sem_alloc : memref<!tpu.dma_semaphore, #tpu.memory_space<semaphore_mem>>
      %dma_start3A_98 = arith.constant 0 : i32
      %dma_start3A_99 = tpu.memref_slice %arg8[%dma_start3A_98] : memref<8192xf32, #tpu.memory_space<vmem>> -> memref<1696xf32, #tpu.memory_space<vmem>>
      %dma_start3A_100 = tpu.memref_slice %arg2[%add3A_83] : memref<3200000xf32, #tpu.memory_space<hbm>> -> memref<1696xf32, #tpu.memory_space<hbm>>
      %dma_start3A_101 = arith.constant 0 : i32
      %dma_start3A_102 = tpu.memref_slice %arg8[%dma_start3A_101] : memref<8192xf32, #tpu.memory_space<vmem>> -> memref<1696xf32, #tpu.memory_space<vmem>>
      %dma_start3A_103 = tpu.memref_slice %arg2[%add3A_83] : memref<3200000xf32, #tpu.memory_space<hbm>> -> memref<1696xf32, #tpu.memory_space<hbm>>
      tpu.enqueue_dma source(%dma_start3A_103 : memref<1696xf32, #tpu.memory_space<hbm>>) target(%dma_start3A_102 : memref<1696xf32, #tpu.memory_space<vmem>>) target_semaphore(%run_scoped3A : memref<!tpu.dma_semaphore, #tpu.memory_space<semaphore_mem>>)
      %dma_wait3A_104 = arith.constant 0 : i32
      %dma_wait3A_105 = tpu.memref_slice %arg8[%dma_wait3A_104] : memref<8192xf32, #tpu.memory_space<vmem>> -> memref<1696xf32, #tpu.memory_space<vmem>>
      %dma_wait3A_106 = tpu.memref_slice %arg2[%add3A_83] : memref<3200000xf32, #tpu.memory_space<hbm>> -> memref<1696xf32, #tpu.memory_space<hbm>>
      %dma_wait3A_107 = arith.constant 0 : i32
      %dma_wait3A_108 = tpu.memref_slice %arg8[%dma_wait3A_107] : memref<8192xf32, #tpu.memory_space<vmem>> -> memref<1696xf32, #tpu.memory_space<vmem>>
      %dma_wait3A_109 = tpu.memref_slice %arg2[%add3A_83] : memref<3200000xf32, #tpu.memory_space<hbm>> -> memref<1696xf32, #tpu.memory_space<hbm>>
      tpu.wait_dma2 semaphore(%run_scoped3A : memref<!tpu.dma_semaphore, #tpu.memory_space<semaphore_mem>>) src(%dma_wait3A_109 : memref<1696xf32, #tpu.memory_space<hbm>>) dst(%dma_wait3A_108 : memref<1696xf32, #tpu.memory_space<vmem>>)
      tpu.yield
    }) : () -> ()
    "tpu.region"() ({
      %run_scoped3A = tpu.sem_alloc : memref<!tpu.dma_semaphore, #tpu.memory_space<semaphore_mem>>
      %dma_start3A_98 = arith.constant 0 : i32
      %dma_start3A_99 = tpu.memref_slice %arg10[%dma_start3A_98] : memref<8192xf32, #tpu.memory_space<vmem>> -> memref<1696xf32, #tpu.memory_space<vmem>>
      %dma_start3A_100 = tpu.memref_slice %arg3[%add3A_83] : memref<3200000xf32, #tpu.memory_space<hbm>> -> memref<1696xf32, #tpu.memory_space<hbm>>
      %dma_start3A_101 = arith.constant 0 : i32
      %dma_start3A_102 = tpu.memref_slice %arg10[%dma_start3A_101] : memref<8192xf32, #tpu.memory_space<vmem>> -> memref<1696xf32, #tpu.memory_space<vmem>>
      %dma_start3A_103 = tpu.memref_slice %arg3[%add3A_83] : memref<3200000xf32, #tpu.memory_space<hbm>> -> memref<1696xf32, #tpu.memory_space<hbm>>
      tpu.enqueue_dma source(%dma_start3A_103 : memref<1696xf32, #tpu.memory_space<hbm>>) target(%dma_start3A_102 : memref<1696xf32, #tpu.memory_space<vmem>>) target_semaphore(%run_scoped3A : memref<!tpu.dma_semaphore, #tpu.memory_space<semaphore_mem>>)
      %dma_wait3A_104 = arith.constant 0 : i32
      %dma_wait3A_105 = tpu.memref_slice %arg10[%dma_wait3A_104] : memref<8192xf32, #tpu.memory_space<vmem>> -> memref<1696xf32, #tpu.memory_space<vmem>>
      %dma_wait3A_106 = tpu.memref_slice %arg3[%add3A_83] : memref<3200000xf32, #tpu.memory_space<hbm>> -> memref<1696xf32, #tpu.memory_space<hbm>>
      %dma_wait3A_107 = arith.constant 0 : i32
      %dma_wait3A_108 = tpu.memref_slice %arg10[%dma_wait3A_107] : memref<8192xf32, #tpu.memory_space<vmem>> -> memref<1696xf32, #tpu.memory_space<vmem>>
      %dma_wait3A_109 = tpu.memref_slice %arg3[%add3A_83] : memref<3200000xf32, #tpu.memory_space<hbm>> -> memref<1696xf32, #tpu.memory_space<hbm>>
      tpu.wait_dma2 semaphore(%run_scoped3A : memref<!tpu.dma_semaphore, #tpu.memory_space<semaphore_mem>>) src(%dma_wait3A_109 : memref<1696xf32, #tpu.memory_space<hbm>>) dst(%dma_wait3A_108 : memref<1696xf32, #tpu.memory_space<vmem>>)
      tpu.yield
    }) : () -> ()
    "tpu.region"() ({
      %run_scoped3A = tpu.sem_alloc : memref<!tpu.dma_semaphore, #tpu.memory_space<semaphore_mem>>
      %dma_start3A_98 = arith.constant 0 : i32
      %dma_start3A_99 = tpu.memref_slice %arg12[%dma_start3A_98] : memref<8192xf32, #tpu.memory_space<vmem>> -> memref<1696xf32, #tpu.memory_space<vmem>>
      %dma_start3A_100 = tpu.memref_slice %arg4[%add3A_83] : memref<3200000xf32, #tpu.memory_space<hbm>> -> memref<1696xf32, #tpu.memory_space<hbm>>
      %dma_start3A_101 = arith.constant 0 : i32
      %dma_start3A_102 = tpu.memref_slice %arg12[%dma_start3A_101] : memref<8192xf32, #tpu.memory_space<vmem>> -> memref<1696xf32, #tpu.memory_space<vmem>>
      %dma_start3A_103 = tpu.memref_slice %arg4[%add3A_83] : memref<3200000xf32, #tpu.memory_space<hbm>> -> memref<1696xf32, #tpu.memory_space<hbm>>
      tpu.enqueue_dma source(%dma_start3A_103 : memref<1696xf32, #tpu.memory_space<hbm>>) target(%dma_start3A_102 : memref<1696xf32, #tpu.memory_space<vmem>>) target_semaphore(%run_scoped3A : memref<!tpu.dma_semaphore, #tpu.memory_space<semaphore_mem>>)
      %dma_wait3A_104 = arith.constant 0 : i32
      %dma_wait3A_105 = tpu.memref_slice %arg12[%dma_wait3A_104] : memref<8192xf32, #tpu.memory_space<vmem>> -> memref<1696xf32, #tpu.memory_space<vmem>>
      %dma_wait3A_106 = tpu.memref_slice %arg4[%add3A_83] : memref<3200000xf32, #tpu.memory_space<hbm>> -> memref<1696xf32, #tpu.memory_space<hbm>>
      %dma_wait3A_107 = arith.constant 0 : i32
      %dma_wait3A_108 = tpu.memref_slice %arg12[%dma_wait3A_107] : memref<8192xf32, #tpu.memory_space<vmem>> -> memref<1696xf32, #tpu.memory_space<vmem>>
      %dma_wait3A_109 = tpu.memref_slice %arg4[%add3A_83] : memref<3200000xf32, #tpu.memory_space<hbm>> -> memref<1696xf32, #tpu.memory_space<hbm>>
      tpu.wait_dma2 semaphore(%run_scoped3A : memref<!tpu.dma_semaphore, #tpu.memory_space<semaphore_mem>>) src(%dma_wait3A_109 : memref<1696xf32, #tpu.memory_space<hbm>>) dst(%dma_wait3A_108 : memref<1696xf32, #tpu.memory_space<vmem>>)
      tpu.yield
    }) : () -> ()
    "tpu.region"() ({
      %run_scoped3A = tpu.sem_alloc : memref<!tpu.dma_semaphore, #tpu.memory_space<semaphore_mem>>
      %dma_start3A_98 = tpu.memref_slice %arg5[%add3A_83] : memref<3200000xi32, #tpu.memory_space<hbm>> -> memref<1696xi32, #tpu.memory_space<hbm>>
      %dma_start3A_99 = tpu.memref_slice %arg5[%add3A_83] : memref<3200000xi32, #tpu.memory_space<hbm>> -> memref<1696xi32, #tpu.memory_space<hbm>>
      tpu.enqueue_dma source(%dma_start3A_99 : memref<1696xi32, #tpu.memory_space<hbm>>) target(%arg18 : memref<1696xi32, #tpu.memory_space<vmem>>) target_semaphore(%run_scoped3A : memref<!tpu.dma_semaphore, #tpu.memory_space<semaphore_mem>>)
      %dma_wait3A_100 = tpu.memref_slice %arg5[%add3A_83] : memref<3200000xi32, #tpu.memory_space<hbm>> -> memref<1696xi32, #tpu.memory_space<hbm>>
      %dma_wait3A_101 = tpu.memref_slice %arg5[%add3A_83] : memref<3200000xi32, #tpu.memory_space<hbm>> -> memref<1696xi32, #tpu.memory_space<hbm>>
      tpu.wait_dma2 semaphore(%run_scoped3A : memref<!tpu.dma_semaphore, #tpu.memory_space<semaphore_mem>>) src(%dma_wait3A_101 : memref<1696xi32, #tpu.memory_space<hbm>>) dst(%arg18 : memref<1696xi32, #tpu.memory_space<vmem>>)
      tpu.yield
    }) : () -> ()
    %scan3A_84 = arith.constant 0 : i32
    %scan3A_85 = arith.constant 0 : i32
    %scan3A_86 = arith.constant 53 : i32
    %scan3A_87 = arith.addi %scan3A_85, %scan3A_86 : i32
    %scan3A_88 = arith.constant 1 : i32
    %scan3A_89 = scf.for %scan3A_98 = %scan3A_85 to %scan3A_87 step %scan3A_88 iter_args(%scan3A_99 = %scan3A_84) -> (i32)  : i32 {
      %mul3A_100 = arith.constant 2 : i32
      %mul3A_101 = arith.muli %scan3A_98, %mul3A_100 : i32
      %add3A_102 = arith.constant 0 : i32
      %add3A_103 = arith.addi %mul3A_101, %add3A_102 : i32
      %mul3A_104 = arith.constant 16 : i32
      %mul3A_105 = arith.muli %add3A_103, %mul3A_104 : i32
      %get3A = arith.index_cast %mul3A_105 : i32 to index
      %get3A_106 = tpu.vector_load %arg8[%get3A] {strides = array<i32>} : memref<8192xf32, #tpu.memory_space<vmem>>, vector<16xf32>,
      %get3A_107 = vector.shape_cast %get3A_106 : vector<16xf32> to vector<16xf32>
      %get3A_108 = arith.index_cast %mul3A_105 : i32 to index
      %get3A_109 = tpu.vector_load %arg10[%get3A_108] {strides = array<i32>} : memref<8192xf32, #tpu.memory_space<vmem>>, vector<16xf32>,
      %get3A_110 = vector.shape_cast %get3A_109 : vector<16xf32> to vector<16xf32>
      %get3A_111 = arith.index_cast %mul3A_105 : i32 to index
      %get3A_112 = tpu.vector_load %arg12[%get3A_111] {strides = array<i32>} : memref<8192xf32, #tpu.memory_space<vmem>>, vector<16xf32>,
      %get3A_113 = vector.shape_cast %get3A_112 : vector<16xf32> to vector<16xf32>
      %add3A_114 = arith.addf %get3A_110, %get3A_113 : vector<16xf32>
      %mul3A_115 = arith.mulf %get3A_107, %add3A_114 : vector<16xf32>
      %swap3A = arith.index_cast %mul3A_105 : i32 to index
      %swap3A_116 = tpu.vector_load %arg16[%swap3A] {strides = array<i32>} : memref<8192xf32, #tpu.memory_space<vmem>>, vector<16xf32>,
      %swap3A_117 = vector.shape_cast %swap3A_116 : vector<16xf32> to vector<16xf32>
      %swap3A_118 = vector.shape_cast %mul3A_115 : vector<16xf32> to vector<16xf32>
      tpu.vector_store %arg16[%swap3A], %swap3A_118 {strides = array<i32>} : memref<8192xf32, #tpu.memory_space<vmem>>, vector<16xf32>,
      %mul3A_119 = arith.constant 2 : i32
      %mul3A_120 = arith.muli %scan3A_98, %mul3A_119 : i32
      %add3A_121 = arith.constant 1 : i32
      %add3A_122 = arith.addi %mul3A_120, %add3A_121 : i32
      %mul3A_123 = arith.constant 16 : i32
      %mul3A_124 = arith.muli %add3A_122, %mul3A_123 : i32
      %get3A_125 = arith.index_cast %mul3A_124 : i32 to index
      %get3A_126 = tpu.vector_load %arg8[%get3A_125] {strides = array<i32>} : memref<8192xf32, #tpu.memory_space<vmem>>, vector<16xf32>,
      %get3A_127 = vector.shape_cast %get3A_126 : vector<16xf32> to vector<16xf32>
      %get3A_128 = arith.index_cast %mul3A_124 : i32 to index
      %get3A_129 = tpu.vector_load %arg10[%get3A_128] {strides = array<i32>} : memref<8192xf32, #tpu.memory_space<vmem>>, vector<16xf32>,
      %get3A_130 = vector.shape_cast %get3A_129 : vector<16xf32> to vector<16xf32>
      %get3A_131 = arith.index_cast %mul3A_124 : i32 to index
      %get3A_132 = tpu.vector_load %arg12[%get3A_131] {strides = array<i32>} : memref<8192xf32, #tpu.memory_space<vmem>>, vector<16xf32>,
      %get3A_133 = vector.shape_cast %get3A_132 : vector<16xf32> to vector<16xf32>
      %add3A_134 = arith.addf %get3A_130, %get3A_133 : vector<16xf32>
      %mul3A_135 = arith.mulf %get3A_127, %add3A_134 : vector<16xf32>
      %swap3A_136 = arith.index_cast %mul3A_124 : i32 to index
      %swap3A_137 = tpu.vector_load %arg16[%swap3A_136] {strides = array<i32>} : memref<8192xf32, #tpu.memory_space<vmem>>, vector<16xf32>,
      %swap3A_138 = vector.shape_cast %swap3A_137 : vector<16xf32> to vector<16xf32>
      %swap3A_139 = vector.shape_cast %mul3A_135 : vector<16xf32> to vector<16xf32>
      tpu.vector_store %arg16[%swap3A_136], %swap3A_139 {strides = array<i32>} : memref<8192xf32, #tpu.memory_space<vmem>>, vector<16xf32>,
      %scan3A_140 = arith.constant 0 : i32
      scf.yield %scan3A_140 : i32
    }
    %scan3A_90 = arith.constant 53 : i32
    "tpu.region"() ({
      %run_scoped3A = tpu.sem_alloc : memref<!tpu.dma_semaphore, #tpu.memory_space<semaphore_mem>>
      %dma_start3A_98 = arith.constant 0 : i32
      %dma_start3A_99 = tpu.memref_slice %arg16[%dma_start3A_98] : memref<8192xf32, #tpu.memory_space<vmem>> -> memref<1696xf32, #tpu.memory_space<vmem>>
      %dma_start3A_100 = arith.constant 0 : i32
      %dma_start3A_101 = tpu.memref_slice %arg23[%dma_start3A_100] : memref<100352xf32, #tpu.memory_space<vmem_shared>> -> memref<100352xf32, #tpu.memory_space<vmem_shared>>
      tpu.enqueue_indirect_dma source(%dma_start3A_99 : memref<1696xf32, #tpu.memory_space<vmem>>) target(%dma_start3A_101 : memref<100352xf32, #tpu.memory_space<vmem_shared>>) offsets(%arg18 : memref<1696xi32, #tpu.memory_space<vmem>>) semaphore(%run_scoped3A : memref<!tpu.dma_semaphore, #tpu.memory_space<semaphore_mem>>) {add = true}
      %dma_wait3A_102 = arith.constant 0 : i32
      %dma_wait3A_103 = tpu.memref_slice %arg16[%dma_wait3A_102] : memref<8192xf32, #tpu.memory_space<vmem>> -> memref<1696xf32, #tpu.memory_space<vmem>>
      %dma_wait3A_104 = arith.constant 0 : i32
      %dma_wait3A_105 = tpu.memref_slice %arg23[%dma_wait3A_104] : memref<100352xf32, #tpu.memory_space<vmem_shared>> -> memref<100352xf32, #tpu.memory_space<vmem_shared>>
      tpu.wait_indirect_dma semaphore(%run_scoped3A : memref<!tpu.dma_semaphore, #tpu.memory_space<semaphore_mem>>) src(%dma_wait3A_103 : memref<1696xf32, #tpu.memory_space<vmem>>) dst(%dma_wait3A_105 : memref<100352xf32, #tpu.memory_space<vmem_shared>>)
      tpu.yield
    }) : () -> ()
    %eq3A = arith.constant 0 : i32
    %eq3A_91 = arith.cmpi eq, %add3A, %eq3A : i32
    %convert_element_type3A = arith.extui %eq3A_91 : i1 to i32
    %cond3A = arith.constant 0 : i32
    %cond3A_92 = arith.cmpi ne, %convert_element_type3A, %cond3A : i32
    scf.if %cond3A_92 {
      "tpu.region"() ({
        %run_scoped3A = tpu.sem_alloc : memref<!tpu.dma_semaphore, #tpu.memory_space<semaphore_mem>>
        %dma_start3A_128 = arith.constant 0 : i32
        %dma_start3A_129 = tpu.memref_slice %arg3[%dma_start3A_128] : memref<3200000xf32, #tpu.memory_space<hbm>> -> memref<16xf32, #tpu.memory_space<hbm>>
        %dma_start3A_130 = arith.constant 0 : i32
        %dma_start3A_131 = tpu.memref_slice %arg3[%dma_start3A_130] : memref<3200000xf32, #tpu.memory_space<hbm>> -> memref<16xf32, #tpu.memory_space<hbm>>
        tpu.enqueue_dma source(%dma_start3A_131 : memref<16xf32, #tpu.memory_space<hbm>>) target(%arg19 : memref<16xf32, #tpu.memory_space<vmem>>) target_semaphore(%run_scoped3A : memref<!tpu.dma_semaphore, #tpu.memory_space<semaphore_mem>>)
        %dma_wait3A_132 = arith.constant 0 : i32
        %dma_wait3A_133 = tpu.memref_slice %arg3[%dma_wait3A_132] : memref<3200000xf32, #tpu.memory_space<hbm>> -> memref<16xf32, #tpu.memory_space<hbm>>
        %dma_wait3A_134 = arith.constant 0 : i32
        %dma_wait3A_135 = tpu.memref_slice %arg3[%dma_wait3A_134] : memref<3200000xf32, #tpu.memory_space<hbm>> -> memref<16xf32, #tpu.memory_space<hbm>>
        tpu.wait_dma2 semaphore(%run_scoped3A : memref<!tpu.dma_semaphore, #tpu.memory_space<semaphore_mem>>) src(%dma_wait3A_135 : memref<16xf32, #tpu.memory_space<hbm>>) dst(%arg19 : memref<16xf32, #tpu.memory_space<vmem>>)
        tpu.yield
      }) : () -> ()
      "tpu.region"() ({
        %run_scoped3A = tpu.sem_alloc : memref<!tpu.dma_semaphore, #tpu.memory_space<semaphore_mem>>
        %dma_start3A_128 = arith.constant 0 : i32
        %dma_start3A_129 = tpu.memref_slice %arg4[%dma_start3A_128] : memref<3200000xf32, #tpu.memory_space<hbm>> -> memref<16xf32, #tpu.memory_space<hbm>>
        %dma_start3A_130 = arith.constant 0 : i32
        %dma_start3A_131 = tpu.memref_slice %arg4[%dma_start3A_130] : memref<3200000xf32, #tpu.memory_space<hbm>> -> memref<16xf32, #tpu.memory_space<hbm>>
        tpu.enqueue_dma source(%dma_start3A_131 : memref<16xf32, #tpu.memory_space<hbm>>) target(%arg20 : memref<16xf32, #tpu.memory_space<vmem>>) target_semaphore(%run_scoped3A : memref<!tpu.dma_semaphore, #tpu.memory_space<semaphore_mem>>)
        %dma_wait3A_132 = arith.constant 0 : i32
        %dma_wait3A_133 = tpu.memref_slice %arg4[%dma_wait3A_132] : memref<3200000xf32, #tpu.memory_space<hbm>> -> memref<16xf32, #tpu.memory_space<hbm>>
        %dma_wait3A_134 = arith.constant 0 : i32
        %dma_wait3A_135 = tpu.memref_slice %arg4[%dma_wait3A_134] : memref<3200000xf32, #tpu.memory_space<hbm>> -> memref<16xf32, #tpu.memory_space<hbm>>
        tpu.wait_dma2 semaphore(%run_scoped3A : memref<!tpu.dma_semaphore, #tpu.memory_space<semaphore_mem>>) src(%dma_wait3A_135 : memref<16xf32, #tpu.memory_space<hbm>>) dst(%arg20 : memref<16xf32, #tpu.memory_space<vmem>>)
        tpu.yield
      }) : () -> ()
      %get3A = arith.constant 0 : index
      %get3A_98 = tpu.vector_load %arg19[%get3A] {strides = array<i32>} : memref<16xf32, #tpu.memory_space<vmem>>, vector<16xf32>,
      %get3A_99 = vector.shape_cast %get3A_98 : vector<16xf32> to vector<16xf32>
      %get3A_100 = arith.constant 0 : index
      %get3A_101 = tpu.vector_load %arg20[%get3A_100] {strides = array<i32>} : memref<16xf32, #tpu.memory_space<vmem>>, vector<16xf32>,
      %get3A_102 = vector.shape_cast %get3A_101 : vector<16xf32> to vector<16xf32>
      %add3A_103 = arith.addf %get3A_99, %get3A_102 : vector<16xf32>
      %mul3A_104 = arith.constant 5.000000e-01 : f32
      %mul3A_105 = vector.broadcast %mul3A_104 : f32 to vector<16xf32>
      %mul3A_106 = arith.mulf %add3A_103, %mul3A_105 : vector<16xf32>
      %swap3A = arith.constant 0 : i32
      %swap3A_107 = arith.index_cast %swap3A : i32 to index
      %swap3A_108 = arith.constant 0 : index
      %swap3A_109 = tpu.vector_load %arg21[%swap3A_107, %swap3A_108] {strides = array<i32>} : memref<2x16xf32, #tpu.memory_space<vmem>>, vector<1x16xf32>,
      %swap3A_110 = vector.shape_cast %swap3A_109 : vector<1x16xf32> to vector<16xf32>
      %swap3A_111 = vector.shape_cast %mul3A_106 : vector<16xf32> to vector<1x16xf32>
      tpu.vector_store %arg21[%swap3A_107, %swap3A_108], %swap3A_111 {strides = array<i32>} : memref<2x16xf32, #tpu.memory_space<vmem>>, vector<1x16xf32>,
      "tpu.region"() ({
        %run_scoped3A = tpu.sem_alloc : memref<!tpu.dma_semaphore, #tpu.memory_space<semaphore_mem>>
        %dma_start3A_128 = arith.constant 3199984 : i32
        %dma_start3A_129 = tpu.memref_slice %arg3[%dma_start3A_128] : memref<3200000xf32, #tpu.memory_space<hbm>> -> memref<16xf32, #tpu.memory_space<hbm>>
        %dma_start3A_130 = arith.constant 3199984 : i32
        %dma_start3A_131 = tpu.memref_slice %arg3[%dma_start3A_130] : memref<3200000xf32, #tpu.memory_space<hbm>> -> memref<16xf32, #tpu.memory_space<hbm>>
        tpu.enqueue_dma source(%dma_start3A_131 : memref<16xf32, #tpu.memory_space<hbm>>) target(%arg19 : memref<16xf32, #tpu.memory_space<vmem>>) target_semaphore(%run_scoped3A : memref<!tpu.dma_semaphore, #tpu.memory_space<semaphore_mem>>)
        %dma_wait3A_132 = arith.constant 3199984 : i32
        %dma_wait3A_133 = tpu.memref_slice %arg3[%dma_wait3A_132] : memref<3200000xf32, #tpu.memory_space<hbm>> -> memref<16xf32, #tpu.memory_space<hbm>>
        %dma_wait3A_134 = arith.constant 3199984 : i32
        %dma_wait3A_135 = tpu.memref_slice %arg3[%dma_wait3A_134] : memref<3200000xf32, #tpu.memory_space<hbm>> -> memref<16xf32, #tpu.memory_space<hbm>>
        tpu.wait_dma2 semaphore(%run_scoped3A : memref<!tpu.dma_semaphore, #tpu.memory_space<semaphore_mem>>) src(%dma_wait3A_135 : memref<16xf32, #tpu.memory_space<hbm>>) dst(%arg19 : memref<16xf32, #tpu.memory_space<vmem>>)
        tpu.yield
      }) : () -> ()
      "tpu.region"() ({
        %run_scoped3A = tpu.sem_alloc : memref<!tpu.dma_semaphore, #tpu.memory_space<semaphore_mem>>
        %dma_start3A_128 = arith.constant 3199984 : i32
        %dma_start3A_129 = tpu.memref_slice %arg4[%dma_start3A_128] : memref<3200000xf32, #tpu.memory_space<hbm>> -> memref<16xf32, #tpu.memory_space<hbm>>
        %dma_start3A_130 = arith.constant 3199984 : i32
        %dma_start3A_131 = tpu.memref_slice %arg4[%dma_start3A_130] : memref<3200000xf32, #tpu.memory_space<hbm>> -> memref<16xf32, #tpu.memory_space<hbm>>
        tpu.enqueue_dma source(%dma_start3A_131 : memref<16xf32, #tpu.memory_space<hbm>>) target(%arg20 : memref<16xf32, #tpu.memory_space<vmem>>) target_semaphore(%run_scoped3A : memref<!tpu.dma_semaphore, #tpu.memory_space<semaphore_mem>>)
        %dma_wait3A_132 = arith.constant 3199984 : i32
        %dma_wait3A_133 = tpu.memref_slice %arg4[%dma_wait3A_132] : memref<3200000xf32, #tpu.memory_space<hbm>> -> memref<16xf32, #tpu.memory_space<hbm>>
        %dma_wait3A_134 = arith.constant 3199984 : i32
        %dma_wait3A_135 = tpu.memref_slice %arg4[%dma_wait3A_134] : memref<3200000xf32, #tpu.memory_space<hbm>> -> memref<16xf32, #tpu.memory_space<hbm>>
        tpu.wait_dma2 semaphore(%run_scoped3A : memref<!tpu.dma_semaphore, #tpu.memory_space<semaphore_mem>>) src(%dma_wait3A_135 : memref<16xf32, #tpu.memory_space<hbm>>) dst(%arg20 : memref<16xf32, #tpu.memory_space<vmem>>)
        tpu.yield
      }) : () -> ()
      %get3A_112 = arith.constant 0 : index
      %get3A_113 = tpu.vector_load %arg19[%get3A_112] {strides = array<i32>} : memref<16xf32, #tpu.memory_space<vmem>>, vector<16xf32>,
      %get3A_114 = vector.shape_cast %get3A_113 : vector<16xf32> to vector<16xf32>
      %get3A_115 = arith.constant 0 : index
      %get3A_116 = tpu.vector_load %arg20[%get3A_115] {strides = array<i32>} : memref<16xf32, #tpu.memory_space<vmem>>, vector<16xf32>,
      %get3A_117 = vector.shape_cast %get3A_116 : vector<16xf32> to vector<16xf32>
      %add3A_118 = arith.addf %get3A_114, %get3A_117 : vector<16xf32>
      %mul3A_119 = arith.constant 5.000000e-01 : f32
      %mul3A_120 = vector.broadcast %mul3A_119 : f32 to vector<16xf32>
      %mul3A_121 = arith.mulf %add3A_118, %mul3A_120 : vector<16xf32>
      %swap3A_122 = arith.constant 1 : i32
      %swap3A_123 = arith.index_cast %swap3A_122 : i32 to index
      %swap3A_124 = arith.constant 0 : index
      %swap3A_125 = tpu.vector_load %arg21[%swap3A_123, %swap3A_124] {strides = array<i32>} : memref<2x16xf32, #tpu.memory_space<vmem>>, vector<1x16xf32>,
      %swap3A_126 = vector.shape_cast %swap3A_125 : vector<1x16xf32> to vector<16xf32>
      %swap3A_127 = vector.shape_cast %mul3A_121 : vector<16xf32> to vector<1x16xf32>
      tpu.vector_store %arg21[%swap3A_123, %swap3A_124], %swap3A_127 {strides = array<i32>} : memref<2x16xf32, #tpu.memory_space<vmem>>, vector<1x16xf32>,
      "tpu.region"() ({
        %run_scoped3A = tpu.sem_alloc : memref<!tpu.dma_semaphore, #tpu.memory_space<semaphore_mem>>
        tpu.enqueue_dma source(%arg21 : memref<2x16xf32, #tpu.memory_space<vmem>>) target(%arg7 : memref<2x16xf32, #tpu.memory_space<hbm>>) target_semaphore(%run_scoped3A : memref<!tpu.dma_semaphore, #tpu.memory_space<semaphore_mem>>)
        tpu.wait_dma2 semaphore(%run_scoped3A : memref<!tpu.dma_semaphore, #tpu.memory_space<semaphore_mem>>) src(%arg21 : memref<2x16xf32, #tpu.memory_space<vmem>>) dst(%arg7 : memref<2x16xf32, #tpu.memory_space<hbm>>)
        tpu.yield
      }) : () -> ()
    } else {
    }
    %barrier3A_93 = arith.constant 0 : index
    tpu.barrier barrier_id(%barrier3A_93)
    %mul3A_94 = arith.constant 6272 : i32
    %mul3A_95 = arith.muli %arg1, %mul3A_94 : i32
    %mul3A_96 = arith.constant 6272 : i32
    %mul3A_97 = arith.muli %arg1, %mul3A_96 : i32
    "tpu.region"() ({
      %run_scoped3A = tpu.sem_alloc : memref<!tpu.dma_semaphore, #tpu.memory_space<semaphore_mem>>
      %dma_start3A_98 = tpu.memref_slice %arg6[%arg0, %mul3A_97] : memref<2x100352xf32, #tpu.memory_space<hbm>> -> memref<1x6272xf32, #tpu.memory_space<hbm>>
      %dma_start3A_99 = tpu.memref_squeeze %dma_start3A_98 : memref<1x6272xf32, #tpu.memory_space<hbm>> -> memref<6272xf32, #tpu.memory_space<hbm>>
      %dma_start3A_100 = tpu.memref_slice %arg23[%mul3A_95] : memref<100352xf32, #tpu.memory_space<vmem_shared>> -> memref<6272xf32, #tpu.memory_space<vmem_shared>>
      tpu.enqueue_dma source(%dma_start3A_100 : memref<6272xf32, #tpu.memory_space<vmem_shared>>) target(%dma_start3A_99 : memref<6272xf32, #tpu.memory_space<hbm>>) target_semaphore(%run_scoped3A : memref<!tpu.dma_semaphore, #tpu.memory_space<semaphore_mem>>)
      %dma_wait3A_101 = tpu.memref_slice %arg6[%arg0, %mul3A_97] : memref<2x100352xf32, #tpu.memory_space<hbm>> -> memref<1x6272xf32, #tpu.memory_space<hbm>>
      %dma_wait3A_102 = tpu.memref_squeeze %dma_wait3A_101 : memref<1x6272xf32, #tpu.memory_space<hbm>> -> memref<6272xf32, #tpu.memory_space<hbm>>
      %dma_wait3A_103 = tpu.memref_slice %arg23[%mul3A_95] : memref<100352xf32, #tpu.memory_space<vmem_shared>> -> memref<6272xf32, #tpu.memory_space<vmem_shared>>
      tpu.wait_dma2 semaphore(%run_scoped3A : memref<!tpu.dma_semaphore, #tpu.memory_space<semaphore_mem>>) src(%dma_wait3A_103 : memref<6272xf32, #tpu.memory_space<vmem_shared>>) dst(%dma_wait3A_102 : memref<6272xf32, #tpu.memory_space<hbm>>)
      tpu.yield
    }) : () -> ()
    return
  }
}

module attributes {stable_mosaic.version = 14 : i64} {
  func.func @_epilogue(%arg0: memref<2x784x128xf32, #tpu.memory_space<vmem>>, %arg1: memref<2x16xf32, #tpu.memory_space<smem>>, %arg2: memref<784x128xf32, #tpu.memory_space<vmem>>) attributes {dimension_semantics = [], scalar_prefetch = 0 : i64, scratch_operands = 0 : i64, tpu.core_type = #tpu.core_type<tc>} {
    %get3A = arith.constant 0 : index
    %get3A_0 = arith.constant 0 : index
    %get3A_1 = memref.load %arg1[%get3A, %get3A_0] : memref<2x16xf32, #tpu.memory_space<smem>>
    %get3A_2 = arith.constant 1 : index
    %get3A_3 = arith.constant 15 : index
    %get3A_4 = memref.load %arg1[%get3A_2, %get3A_3] : memref<2x16xf32, #tpu.memory_space<smem>>
    %get3A_5 = arith.constant 0 : index
    %get3A_6 = arith.constant 0 : index
    %get3A_7 = arith.constant 0 : index
    %get3A_8 = vector.load %arg0[%get3A_5, %get3A_6, %get3A_7] : memref<2x784x128xf32, #tpu.memory_space<vmem>>, vector<1x784x128xf32>
    %get3A_9 = vector.shape_cast %get3A_8 : vector<1x784x128xf32> to vector<784x128xf32>
    %get3A_10 = arith.constant 1 : index
    %get3A_11 = arith.constant 0 : index
    %get3A_12 = arith.constant 0 : index
    %get3A_13 = vector.load %arg0[%get3A_10, %get3A_11, %get3A_12] : memref<2x784x128xf32, #tpu.memory_space<vmem>>, vector<1x784x128xf32>
    %get3A_14 = vector.shape_cast %get3A_13 : vector<1x784x128xf32> to vector<784x128xf32>
    %add3A = arith.addf %get3A_9, %get3A_14 : vector<784x128xf32>
    %mul3A = arith.constant 5.000000e-01 : f32
    %mul3A_15 = vector.broadcast %mul3A : f32 to vector<784x128xf32>
    %mul3A_16 = arith.mulf %add3A, %mul3A_15 : vector<784x128xf32>
    %max3A = vector.broadcast %get3A_1 : f32 to vector<784x128xf32>
    %max3A_17 = arith.maximumf %max3A, %mul3A_16 : vector<784x128xf32>
    %min3A = vector.broadcast %get3A_4 : f32 to vector<784x128xf32>
    %min3A_18 = arith.minimumf %min3A, %max3A_17 : vector<784x128xf32>
    %swap3A = arith.constant 0 : index
    %swap3A_19 = arith.constant 0 : index
    %swap3A_20 = vector.load %arg2[%swap3A, %swap3A_19] : memref<784x128xf32, #tpu.memory_space<vmem>>, vector<784x128xf32>
    tpu.vector_store %arg2[%swap3A, %swap3A_19], %min3A_18 {strides = array<i32>} : memref<784x128xf32, #tpu.memory_space<vmem>>, vector<784x128xf32>,
    return
  }
}

</mosaic_0001>

<sc_bundles>
// kernel: kernel.4.cloned.1.call-start
scs
__scs_entry_jumppad:
0x0: {  	(pc) =	sbr.rel $0x88, $3  }
0x1: {  	(tag) =	ssettag $0x0;
	lr =	simm.s32 $0x1  }
0x2: {  	[smem:$0x3F9D] =	sst lr;
	_ =	strace $0xD0000000  }
0x3: {  	_ = 	snop  }
0x4: {  	_ = 	snop  }
0x5: {  	_ = 	snop  }
0x6: {  	_ = 	snop  }
0x7: {  	_ = 	snop  }
__scs_overlays_trampoline_lowered:
0x8: {  	[smem:$0x3FAC] =	sst s0  }
0x9: {  	[smem:$0x3FAD] =	sst s1  }
0xa: {  	[smem:$0x3FAE] =	sst s2  }
0xb: {  	[smem:$0x3FAF] =	sst s3  }
0xc: {  	[smem:$0x3FB0] =	sst s4  }
0xd: {  	[smem:$0x3FB1] =	sst s5  }
0xe: {  	[smem:$0x3FB2] =	sst s6  }
0xf: {  	[smem:$0x3FB3] =	sst s7  }
0x10: {  	[smem:$0x3FB4] =	sst s8  }
0x11: {  	[smem:$0x3FB5] =	sst s9;
	s0 =	simm.s32 @!p0 $0x0  }
0x12: {  	s1 =	sld [smem:$0x3F9B];
	s0 =	simm.s32 @p0 $0x1  }
0x13: {  	[smem:$0x3FB6] =	sst s0;
	s0 =	simm.s32 @!p1 $0x0  }
0x14: {  	s2 =	sld [smem:$0x3F9A];
	s0 =	simm.s32 @p1 $0x1  }
0x15: {  	[smem:$0x3FB7] =	sst s0;
	s0 =	simm.s32 @!p2 $0x0  }
0x16: {  	s3 =	sld [smem:$0x3FDB];
	s0 =	simm.s32 @p2 $0x1  }
0x17: {  	s4 =	simm.s32 $0x1BF5;
	[smem:$0x3FB9] =	sst s0  }
0x18: {  	s0 =	sld [smem:$0x3F9C];
	_ =	swait.ge [sflag:s4], $0x0  }
0x19: {  	s7 =	sld [smem:$0x3F9D]  }
0x1a: {  	s8 =	sadd.s32 $0xFFFFE003, lr  }
0x1b: {  	s9 =	sadd.s32 $0xFFFFFEF7, lr;
	s5 =	simm.s32 $0xFFFFFFFF;
	p2 =	slt.u32 s8, $0xFFFFF086  }
0x1c: {  	p1 =	slt.u32 s9, $0xF7A;
	s5 =	simm.s32 @!p2 $0x0  }
0x1d: {  	s5 =	simm.s32 @p1 $0x1;
	p0 =	seq.s32 s7, s2  }
0x1e: {  	s7 =	smul.u32 @!p0 $0xF7A, s2;
	p2 =	seq.s32 @!p0 s5, $0x0  }
0x1f: {  	s9 =	smul.u32 $0xF7A, s1;
	s8 =	simm.s32 @!p0 $0x1BF5;
	p2 =	por !p2, p0  }
0x20: {  	[sflag:s8] =	ssyncset.s32 @!p0 $0xFFFFF086;
	s6 =	sadd.s32 @!p0 s3, s7;
	s7 =	simm.s32 @!p0 $0x108  }
0x21: {  	s3 =	sadd.s32 s3, s9;
	s6 =	sadd.s32 @!p0 $0x88, s6;
	s7 =	simm.s32 @p2 $0x1082  }
0x22: {  	[simem:s7], [sflag:s8] =	dma.local @!p0 [hbm:s6], $0xF7A  }
0x23: {  	s9 =	sor.u32 $0xD0000000, s2;
	s6 =	simm.s32 $0x108;
	_ =	swait.ge @!p0 [sflag:s8], $0x0  }
0x24: {  	s3 =	sadd.s32 $0x88, s3;
	s6 =	simm.s32 @!p1 $0x1082;
	[sflag:s4] =	ssyncset.s32 $0xFFFFF086  }
0x25: {  	[simem:s6], [sflag:s4] =	dma.local [hbm:s3], $0xF7A  }
0x26: {  	[smem:$0x3F9D] =	sst s1;
	(tag) =	ssettag s2;
	_ =	strace s9  }
0x27: {  	s1 =	sld [smem:$0x3FAD]  }
0x28: {  	s2 =	sld [smem:$0x3FAE]  }
0x29: {  	s4 =	sld [smem:$0x3FB0]  }
0x2a: {  	p0 =	seq.s32 s5, $0x0;
	s5 =	sld [smem:$0x3FB1]  }
0x2b: {  	s6 =	sld [smem:$0x3FB2]  }
0x2c: {  	s7 =	sld [smem:$0x3FB3]  }
0x2d: {  	s3 =	simm.s32 $0x108;
	s8 =	sld [smem:$0x3FB4]  }
0x2e: {  	s3 =	simm.s32 @!p0 $0x1082;
	s9 =	sld [smem:$0x3FB5]  }
0x2f: {  	lr =	sadd.s32 s0, s3;
	s0 =	sld [smem:$0x3FAC]  }
0x30: {  	s3 =	sld [smem:$0x3FAF]  }
0x31: {  	[smem:$0x3FB8] =	sst s10  }
0x32: {  	s10 =	sld [smem:$0x3FB6];
	_ =	sdelay $0x3  }
0x33: {  	p0 =	seq.s32 s10, $0x1;
	s10 =	sld [smem:$0x3FB8];
	_ =	sdelay $0x3  }
0x34: {  	[smem:$0x3FB8] =	sst s10  }
0x35: {  	s10 =	sld [smem:$0x3FB7];
	_ =	sdelay $0x3  }
0x36: {  	p1 =	seq.s32 s10, $0x1;
	s10 =	sld [smem:$0x3FB8];
	_ =	sdelay $0x3  }
0x37: {  	[smem:$0x3FB8] =	sst s10  }
0x38: {  	s10 =	sld [smem:$0x3FB9]  }
0x39: {  	_ = 	snop;
	(pc) =	sbr.ind lr, $3  }
0x3a: {  	_ = 	snop  }
0x3b: {  	_ = 	snop  }
0x3c: {  	p2 =	seq.s32 s10, $0x1;
	s10 =	sld [smem:$0x3FB8]  }
0x3d: {  	_ =	shalt  }
0x3e: {  	_ =	shalt  }
0x3f: {  	_ =	shalt  }
0x40: {  	_ =	shalt  }
0x41: {  	_ =	shalt  }
0x42: {  	_ =	shalt  }
0x43: {  	_ =	shalt  }
0x44: {  	_ =	shalt  }
0x45: {  	_ =	shalt  }
0x46: {  	_ =	shalt  }
0x47: {  	_ =	shalt  }
0x48: {  	_ =	shalt  }
0x49: {  	_ =	shalt  }
0x4a: {  	_ =	shalt  }
0x4b: {  	_ =	shalt  }
0x4c: {  	_ =	shalt  }
0x4d: {  	_ =	shalt  }
0x4e: {  	_ =	shalt  }
0x4f: {  	_ =	shalt  }
0x50: {  	_ =	shalt  }
0x51: {  	_ =	shalt  }
0x52: {  	_ =	shalt  }
0x53: {  	_ =	shalt  }
0x54: {  	_ =	shalt  }
0x55: {  	_ =	shalt  }
0x56: {  	_ =	shalt  }
0x57: {  	_ =	shalt  }
0x58: {  	_ =	shalt  }
0x59: {  	_ =	shalt  }
0x5a: {  	_ =	shalt  }
0x5b: {  	_ =	shalt  }
0x5c: {  	_ =	shalt  }
0x5d: {  	_ =	shalt  }
0x5e: {  	_ =	shalt  }
0x5f: {  	_ =	shalt  }
0x60: {  	_ =	shalt  }
0x61: {  	_ =	shalt  }
0x62: {  	_ =	shalt  }
0x63: {  	_ =	shalt  }
0x64: {  	_ =	shalt  }
0x65: {  	_ =	shalt  }
0x66: {  	_ =	shalt  }
0x67: {  	_ =	shalt  }
0x68: {  	_ =	shalt  }
0x69: {  	_ =	shalt  }
0x6a: {  	_ =	shalt  }
0x6b: {  	_ =	shalt  }
0x6c: {  	_ =	shalt  }
0x6d: {  	_ =	shalt  }
0x6e: {  	_ =	shalt  }
0x6f: {  	_ =	shalt  }
0x70: {  	_ =	shalt  }
0x71: {  	_ =	shalt  }
0x72: {  	_ =	shalt  }
0x73: {  	_ =	shalt  }
0x74: {  	_ =	shalt  }
0x75: {  	_ =	shalt  }
0x76: {  	_ =	shalt  }
0x77: {  	_ =	shalt  }
0x78: {  	_ =	shalt  }
0x79: {  	_ =	shalt  }
0x7a: {  	_ =	shalt  }
0x7b: {  	_ =	shalt  }
0x7c: {  	_ =	shalt  }
0x7d: {  	_ =	shalt  }
0x7e: {  	_ =	shalt  }
0x7f: {  	_ =	shalt  }
0x80: {  	_ =	shalt  }
0x81: {  	_ =	shalt  }
0x82: {  	_ =	shalt  }
0x83: {  	_ =	shalt  }
0x84: {  	_ =	shalt  }
0x85: {  	_ =	shalt  }
0x86: {  	_ =	shalt  }
0x87: {  	_ =	shalt  }
.Lfunc_end0:
.L_simem_size_0:
called_computation_lowered:
.L_overlay_start_0:
0x88: {  	s2 =	sld [smem:$0x3FD9]  }
0x89: {  	s3 =	sld [smem:$0x3FFE];
	_ =	sdelay $0x1  }
0x8a: {  	s1 =	srdreg.scid  }
0x8b: {  	s0 =	sand.u32 $0x1, s1  }
0x8c: {  	s17 =	sshll.u32 s0, $0xA;
	s2 =	sadd.s32 s3, s2  }
0x8d: {  	s2 =	sadd.s32 s2, s17  }
0x8e: {  	[smem:$0x3FC4] =	sst s2  }
0x8f: {  	_ = 	snop  }
0x90: {  	s2 =	sld [smem:$0x3FC9]  }
0x91: {  	s18 =	sld [smem:$0x3FC8]  }
0x92: {  	s4 =	sld [smem:$0x3FC7]  }
0x93: {  	s5 =	sld [smem:$0x3FC6]  }
0x94: {  	s6 =	sld [smem:$0x3FD0];
	(tm) =	ssettm $0x1  }
0x95: {  	s7 =	sld [smem:$0x3FFB];
	_ =	sdelay $0x3  }
0x96: {  	_ =	strace s7  }
0x97: {  	s7 =	sld [smem:$0x3FFC];
	_ =	sdelay $0x3  }
0x98: {  	_ =	strace s7  }
0x99: {  	s7 =	sld [smem:$0x3FFD];
	_ =	sdelay $0x3  }
0x9a: {  	_ =	strace s7  }
0x9b: {  	_ =	strace $0x8FFFFFFF  }
0x9c: {  	s19 =	sld [smem:$0x3FDB];
	_ =	sdelay $0x1  }
0x9d: {  	s8 =	simm.s32 $_scs_section_size  }
0x9e: {  	s9 =	simm.s32 $_size__tile_overlayer_lowered;
	s10 =	simm.s32 $_tile_overlayer_lowered  }
0x9f: {  	s22 =	simm.s32 $0x1BFF;
	s21 =	sshll.u32 s10, $0x1;
	s7 =	sadd.s32 s8, s19  }
0xa0: {  	s11 =	simm.s32 $0x0;
	s20 =	sshll.u32 s9, $0x1;
	s9 =	sadd.s32 s21, s7  }
0xa1: {  	[timem:s11], [sflag:s22] =	dma.local [hbm:s9], s20  }
0xa2: {  	_ =	swait.ge [sflag:s22], s20  }
0xa3: {  	s8 =	ssub.s32 $0x0, s20;
	[sflag:s22] =	ssyncset.done $0x0  }
0xa4: {  	[sflag:s22] =	ssyncadd.s32 s8;
	_ =	sdelay $0x1  }
0xa5: {  	s23 =	simm.s32 $0x1B8B  }
0xa6: {  	_ =	swait.ge [sflag:s23], $0x1  }
0xa7: {  	[sflag:s23] =	ssyncset.done $0x0  }
0xa8: {  	s25 =	simm.s32 $0x1B8E;
	s24 =	sld [smem:$0x3FFE];
	[sflag:s23] =	ssyncadd.s32 $0xFFFFFFFF  }
0xa9: {  	s26 =	simm.s32 $execute0_lowered;
	[smem:$0x3FD2] =	sst s25  }
0xaa: {  	s9 =	sshll.u32 s26, $0x1;
	_ =	strace $0x80000046;
	[dreg:$0x1] =	wrdreg $0xFFFFFFFF  }
0xab: {  	s28 =	simm.s32 $_size_execute0_lowered;
	s7 =	sadd.s32 s7, s9;
	[dreg:$0x0] =	wrdreg $0x0  }
0xac: {  	s9 =	sshll.u32 s28, $0x1;
	[dreg:$0x2] =	wrdreg s7  }
0xad: {  	[dreg:$0x3] =	wrdreg s9  }
0xae: {  	[dreg:$0x4] =	wrdreg $0xC0  }
0xaf: {  	_ =	task [dreg:s11], $0x5FFFF  }
0xb0: {  	[dreg:$0x1] =	wrdreg $0xFFFFFFFF  }
0xb1: {  	[dreg:$0x0] =	wrdreg $0x60  }
0xb2: {  	[dreg:$0x2] =	wrdreg s2  }
0xb3: {  	[dreg:$0x3] =	wrdreg s18  }
0xb4: {  	[dreg:$0x4] =	wrdreg s4  }
0xb5: {  	[dreg:$0x5] =	wrdreg s5  }
0xb6: {  	[dreg:$0x6] =	wrdreg s24  }
0xb7: {  	[dreg:$0x7] =	wrdreg s6  }
0xb8: {  	[dreg:$0x8] =	wrdreg $0x161800  }
0xb9: {  	[dreg:$0x9] =	wrdreg $0x9  }
0xba: {  	_ =	task.clear_ibuf [dreg:s11], $0xAFFFF;
	_ =	strace $0x90000046  }
0xbb: {  	s29 =	simm.s32 $0x9;
	_ =	strace $0x80000048  }
0xbc: {  	_ =	swait.ge [sflag:s29], $0x1  }
0xbd: {  	[sflag:s29] =	ssyncadd.s32 $0xFFFFFFFF  }
0xbe: {  	_ =	strace $0x90000048  }
0xbf: {  	_ =	sfence  }
0xc0: {  	s30 =	sld [smem:$0x0];
	_ =	sdelay $0x2  }
0xc1: {  	s31 =	sshll.u32 s1, $0xD;
	s1 =	sshrl.u32 s1, $0x2  }
0xc2: {  	s3 =	sand.u32 $0x4000, s31;
	s1 =	sadd.s32 s1, s30  }
0xc3: {  	s0 =	sor.u32 s3, s0;
	s1 =	sshll.u32 s1, $0x11  }
0xc4: {  	s0 =	sor.u32 s1, s0  }
0xc5: {  	s0 =	sadd.s32 $0x8F2B, s0  }
0xc6: {  	[sflag:s0] =	ssyncadd.remote.s32 $0x1  }
0xc7: {  	_ =	sfence.sel $0xFFFF  }
0xc8: {  	[dreg:$0x0] =	wrdreg $0xFFFFFFFF;
	(pc) =	sbr.abs _section_cstart, $3  }
0xc9: {  	[dreg:$0x1] =	wrdreg $0xFFFFFFFF  }
0xca: {  	_ =	task.clear_ibuf [dreg:s11], $0x2FFFF;
	_ =	strace $0x9FFFFFFF  }
0xcb: {  	(tm) =	ssettm $0x7FFFFFFF  }
tec
execute0_lowered:
.L_overlay_start_1:
0x0: {  	(tag) =	ssettag $0x1  }
0x1: {  	s0 =	rddreg [dreg:$0x0]  }
0x2: {  	s2 =	rddreg [dreg:$0x1]  }
0x3: {  	s3 =	rddreg [dreg:$0x2]  }
0x4: {  	s4 =	rddreg [dreg:$0x3]  }
0x5: {  	s1 =	rddreg [dreg:$0x4]  }
0x6: {  	s7 =	rddreg [dreg:$0x6]  }
0x7: {  	s8 =	simm.s32 $0x0;
	s5 =	srdreg.scid;
	s11 =	stileid.u32  }
0x8: {  	s30 =	simm.s32 $0x3;
	s31 =	simm.s32 $0x4000;
	s29 =	simm.s32 $0x2000  }
0x9: {  	[smem:$0x7FF] =	sst s8;
	s5 =	sand.u32 $0x1, s5;
	s6 =	smul.u32 $0x3100, s11  }
0xa: {  	s10 =	sshll.u32 s11, $0x1;
	s14 =	smul.u32 $0x6200, s11;
	s28 =	sadd.s32 $0x61A7E, s3  }
0xb: {  	s11 =	simm.s32 $0xE000;
	_ =	strace $0x80000047;
	s10 =	sor.u32 s5, s10  }
0xc: {  	s9 =	sshll.u32 s5, $0x7;
	s5 =	ssub.s32 $0x2, s5;
	s15 =	smul.u32 $0x186A0, s10  }
0xd: {  	s6 =	sor.u32 s9, s6;
	s16 =	sshrl.u32 s5, $0x1;
	s9 =	sshrl.u32 s14, $0x2  }
0xe: {  	p0 =	sne.s32 s10, $0x0;
	s10 =	simm.s32 $0xA000;
	s17 =	sshrl.u32 s15, $0x3  }
0xf: {  	s14 =	simm.s32 $0x2;
	s6 =	sshrl.u32 s6, $0x3;
	s12 =	sadd.s32 s0, s17  }
0x10: {  	s5 =	ssub.s32 s5, s16;
	s18 =	sadd.s32 s2, s17;
	[dreg:$0x8] =	wrdreg s12  }
0x11: {  	s9 =	sadd.s32 s9, s7;
	s13 =	sadd.s32 s3, s17;
	[dreg:$0x9] =	wrdreg s18  }
0x12: {  	s1 =	sadd.s32 s6, s1;
	s20 =	sadd.s32 s4, s17;
	[dreg:$0xa] =	wrdreg s13  }
0x13: {  	s19 =	sadd.s32 $0x400, s17;
	s1 =	sadd.s32 $0xA00, s1;
	[dreg:$0xb] =	wrdreg s20  }
0x14: {  	s16 =	simm.s32 $0x14000;
	s21 =	sadd.s32 s0, s19;
	[dreg:$0x14] =	wrdreg s1  }
0x15: {  	s6 =	sadd.s32 $0x3000, s17;
	s22 =	sadd.s32 s2, s19;
	[dreg:$0xc] =	wrdreg s21  }
0x16: {  	s17 =	simm.s32 $0x0;
	s23 =	sadd.s32 s3, s19;
	[dreg:$0xd] =	wrdreg s22  }
0x17: {  	s12 =	sadd.s32 s4, s19;
	s18 =	sadd.s32 $0x4000, s15;
	[dreg:$0xe] =	wrdreg s23  }
0x18: {  	s19 =	sadd.s32 $0x6000, s15;
	s24 =	sadd.s32 s0, s6;
	[dreg:$0xf] =	wrdreg s12  }
0x19: {  	s25 =	sadd.s32 s2, s6;
	s26 =	sadd.s32 s3, s6;
	[dreg:$0x10] =	wrdreg s24  }
0x1a: {  	s6 =	sadd.s32 s4, s6;
	s1 =	simm.s32 $0x8000;
	[dreg:$0x11] =	wrdreg s25  }
0x1b: {  	s13 =	simm.s32 $0x10000;
	s15 =	simm.s32 $0x12000;
	[dreg:$0x12] =	wrdreg s26  }
0x1c: {  	[dreg:$0x13] =	wrdreg s6;
	s25 =	smax.u32 s5, $0x1;
	s26 =	sadd.s32 $0x61A7E, s2  }
0x1d: {  	v0 =	vimm.f32 $0.0e+00;
	s5 =	simm.s32 $0xC000;
	s6 =	simm.s32 $0x6000;
	s12 =	simm.s32 $0x1  }
.LBB2_1:
0x1e: {  	s20 =	simm.s32 $0x40;
	s21 =	simm.s32 $0x0  }
.LBB2_2:
0x1f: {  	p1 =	sne.s32 s20, $0x61C0;
	[tilespmem:s21+$0x14900] =	vst v0;
	s21 =	smov.u32 s20;
	s20 =	sadd.s32 $0x40, s20  }
.Ltmp0:
0x20: {  	(pc) =	sbr.rel @p1 .LBB2_2-.Ltmp0, $2  }
0x21: {  	_ =	sdelay $0x2  }
0x22: {  	s21 =	sshra.s32 s21, $0x2  }
0x23: {  	[tilespmem:s21+$0x14900] =	vst v0;
	s20 =	simm.s32 $0x14900  }
0x24: {  	[spmem:s9] =	stream.linear.scatter [tilespmem:s20], [sflag:$0x3], $0x1880, $0x38;
	[tilespmem:$0x17A00] =	vst v63  }
0x25: {  	_ =	swait.ge [sflag:s30], $0x1880  }
0x26: {  	[sflag:s30] =	ssyncset.done $0x0  }
0x27: {  	[sflag:s30] =	ssyncadd.s32 $0xFFFFE780  }
0x28: {  	[bflag:$0x0] =	sbarrier.arrive $0xFFFF  }
0x29: {  	s20 =	simm.s32 $0x0;
	s23 =	rddreg [dreg:$0x8]  }
0x2a: {  	[tilespmem:s20], [sflag:$0x1] =	stream.linear.gather [hbm4b:s23+s20], $0x2000, $0x38;
	[tilespmem:$0x17A00] =	vst v63  }
0x2b: {  	s24 =	rddreg [dreg:$0x9]  }
0x2c: {  	[tilespmem:s31], [sflag:$0x1] =	stream.linear.gather [hbm4b:s24+s20], $0x2000, $0x38;
	[tilespmem:$0x17A00] =	vst v63  }
0x2d: {  	s22 =	rddreg [dreg:$0xa]  }
0x2e: {  	[tilespmem:s1], [sflag:$0x1] =	stream.linear.gather [hbm4b:s22+s20], $0x2000, $0x38;
	[tilespmem:$0x17A00] =	vst v63  }
0x2f: {  	s23 =	rddreg [dreg:$0xb]  }
0x30: {  	[tilespmem:s5], [sflag:$0x1] =	stream.linear.gather [hbm4b:s23+s20], $0x2000, $0x38;
	[tilespmem:$0x17A00] =	vst v63  }
0x31: {  	s24 =	rddreg [dreg:$0xc]  }
0x32: {  	[tilespmem:s29], [sflag:$0x2] =	stream.linear.gather [hbm4b:s24+s20], $0x2000, $0x38;
	[tilespmem:$0x17A00] =	vst v63  }
0x33: {  	s22 =	rddreg [dreg:$0xd]  }
0x34: {  	[tilespmem:s6], [sflag:$0x2] =	stream.linear.gather [hbm4b:s22+s20], $0x2000, $0x38;
	[tilespmem:$0x17A00] =	vst v63  }
0x35: {  	s23 =	rddreg [dreg:$0xe]  }
0x36: {  	[tilespmem:s10], [sflag:$0x2] =	stream.linear.gather [hbm4b:s23+s20], $0x2000, $0x38;
	[tilespmem:$0x17A00] =	vst v63  }
0x37: {  	s24 =	rddreg [dreg:$0xf]  }
0x38: {  	[tilespmem:s11], [sflag:$0x2] =	stream.linear.gather [hbm4b:s24+s20], $0x2000, $0x38;
	[tilespmem:$0x17A00] =	vst v63  }
.LBB2_4:
0x39: {  	_ =	swait.ge [sflag:s12], $0x2000  }
0x3a: {  	[sflag:s12] =	ssyncset.done $0x0  }
0x3b: {  	[sflag:s12] =	ssyncadd.s32 $0xFFFFE000  }
0x3c: {  	_ =	swait.ge [sflag:s12], $0x2000  }
0x3d: {  	[sflag:s12] =	ssyncset.done $0x0  }
0x3e: {  	[sflag:s12] =	ssyncadd.s32 $0xFFFFE000  }
0x3f: {  	_ =	swait.ge [sflag:s12], $0x2000  }
0x40: {  	[sflag:s12] =	ssyncset.done $0x0  }
0x41: {  	[sflag:s12] =	ssyncadd.s32 $0xFFFFE000  }
0x42: {  	_ =	swait.ge [sflag:s12], $0x2000  }
0x43: {  	[sflag:s12] =	ssyncset.done $0x0  }
0x44: {  	s21 =	simm.s32 $0x0;
	[sflag:s12] =	ssyncadd.s32 $0xFFFFE000  }
0x45: {  	v1 =	vld [tilespmem:s21+$0x4070]  }
0x46: {  	v2 =	vld [tilespmem:s21+$0x8070]  }
0x47: {  	v3 =	vld [tilespmem:s21+$0x4000]  }
0x48: {  	v4 =	vld [tilespmem:s21+$0x70]  }
0x49: {  	v5 =	vld [tilespmem:s21+$0x8000]  }
0x4a: {  	v6 =	vld [tilespmem:s21+$0x4010]  }
0x4b: {  	v8 =	vld [tilespmem:s21+$0x8010]  }
0x4c: {  	v10 =	vld [tilespmem:s21+$0x8020]  }
0x4d: {  	v11 =	vld [tilespmem:s21+$0x8030]  }
0x4e: {  	v12 =	vld [tilespmem:s21+$0x4040]  }
0x4f: {  	v13 =	vld [tilespmem:s21+$0x8040]  }
0x50: {  	v14 =	vld [tilespmem:s21+$0x4050]  }
0x51: {  	v15 =	vld [tilespmem:s21+$0x8050]  }
0x52: {  	v16 =	vld [tilespmem:s21+$0x4060]  }
0x53: {  	v17 =	vld [tilespmem:s21+$0x8060]  }
0x54: {  	v18 =	vld [tilespmem:s21+$0x0];
	v1 =	vadd.f32 v2, v1  }
0x55: {  	v2 =	vld [tilespmem:s21+$0x4020]  }
0x56: {  	v1 =	vmul.f32 v1, v4;
	v4 =	vld [tilespmem:s21+$0x4030]  }
0x57: {  	v19 =	vld [tilespmem:s21+$0x10]  }
0x58: {  	v20 =	vld [tilespmem:s21+$0x20]  }
0x59: {  	v9 =	vld [tilespmem:s21+$0x30];
	v3 =	vadd.f32 v5, v3  }
0x5a: {  	v7 =	vld [tilespmem:s21+$0x40];
	v21 =	vadd.f32 v8, v6  }
0x5b: {  	v6 =	vld [tilespmem:s21+$0x50];
	[tilespmem:s21+$0x10070] =	vst v1;
	v22 =	vadd.f32 v10, v2;
	v1 =	vadd.f32 v11, v4;
	v11 =	vmul.f32 v3, v18  }
0x5c: {  	s22 =	simm.s32 $0x80;
	v8 =	vld [tilespmem:s21+$0x60];
	v5 =	vadd.f32 v13, v12;
	v10 =	vmul.f32 v21, v19  }
0x5d: {  	s23 =	simm.s32 $0x400;
	v2 =	vld [tilespmem:s22+$0x4070];
	v3 =	vadd.f32 v15, v14;
	v4 =	vadd.f32 v17, v16;
	[tilespmem:s21+$0x10000] =	vst v11;
	v11 =	vmul.f32 v22, v20  }
.LBB2_5:
0x5e: {  	p1 =	sne.s32 s23, $0x7E00;
	v12 =	vld [tilespmem:s22+$0x8070];
	[tilespmem:s21+$0x10010] =	vst v10;
	v1 =	vmul.f32 v1, v9  }
0x5f: {  	v9 =	vld [tilespmem:s22+$0x4000];
	[tilespmem:s21+$0x10020] =	vst v11;
	v5 =	vmul.f32 v5, v7  }
0x60: {  	v7 =	vld [tilespmem:s22+$0x70];
	[tilespmem:s21+$0x10030] =	vst v1;
	v1 =	vmul.f32 v3, v6  }
0x61: {  	v3 =	vld [tilespmem:s22+$0x8000];
	[tilespmem:s21+$0x10040] =	vst v5;
	v4 =	vmul.f32 v4, v8  }
0x62: {  	v5 =	vld [tilespmem:s22+$0x4010];
	[tilespmem:s21+$0x10050] =	vst v1  }
0x63: {  	v1 =	vld [tilespmem:s22+$0x8010];
	v2 =	vadd.f32 v12, v2;
	[tilespmem:s21+$0x10060] =	vst v4;
	s21 =	smov.u32 s22  }
0x64: {  	v4 =	vld [tilespmem:s21+$0x4020]  }
0x65: {  	v6 =	vld [tilespmem:s21+$0x8020];
	v2 =	vmul.f32 v2, v7  }
0x66: {  	v8 =	vadd.f32 v3, v9;
	v3 =	vld [tilespmem:s21+$0x4030]  }
0x67: {  	v7 =	vld [tilespmem:s21+$0x8030];
	[tilespmem:s21+$0x10070] =	vst v2  }
0x68: {  	v2 =	vadd.f32 v1, v5;
	v5 =	vld [tilespmem:s21+$0x4040]  }
0x69: {  	v9 =	vld [tilespmem:s21+$0x8040]  }
0x6a: {  	v11 =	vadd.f32 v6, v4;
	v4 =	vld [tilespmem:s21+$0x4050]  }
0x6b: {  	v6 =	vld [tilespmem:s21+$0x8050]  }
0x6c: {  	v1 =	vadd.f32 v7, v3;
	v10 =	vld [tilespmem:s21+$0x4060]  }
0x6d: {  	v12 =	vld [tilespmem:s21+$0x8060]  }
0x6e: {  	v13 =	vld [tilespmem:s21+$0x0];
	v5 =	vadd.f32 v9, v5  }
0x6f: {  	v14 =	vld [tilespmem:s21+$0x10]  }
0x70: {  	v15 =	vld [tilespmem:s21+$0x20];
	v3 =	vadd.f32 v6, v4  }
.Ltmp1:
0x71: {  	v9 =	vld [tilespmem:s21+$0x30];
	(pc) =	sbr.rel @p1 .LBB2_5-.Ltmp1, $4  }
0x72: {  	v7 =	vld [tilespmem:s21+$0x40];
	v4 =	vadd.f32 v12, v10  }
0x73: {  	v12 =	vmul.f32 v8, v13;
	v6 =	vld [tilespmem:s21+$0x50]  }
0x74: {  	s22 =	sshra.s32 s23, $0x2;
	v10 =	vmul.f32 v2, v14;
	v8 =	vld [tilespmem:s21+$0x60]  }
0x75: {  	s23 =	sadd.s32 $0x200, s23;
	v2 =	vld [tilespmem:s22+$0x4070];
	[tilespmem:s21+$0x10000] =	vst v12;
	v11 =	vmul.f32 v11, v15  }
0x76: {  	v12 =	vld [tilespmem:s22+$0x8070];
	[tilespmem:s21+$0x10010] =	vst v10;
	v1 =	vmul.f32 v1, v9  }
0x77: {  	v10 =	vld [tilespmem:s22+$0x4000];
	[tilespmem:s21+$0x10020] =	vst v11;
	v5 =	vmul.f32 v5, v7  }
0x78: {  	v9 =	vld [tilespmem:s22+$0x70];
	[tilespmem:s21+$0x10030] =	vst v1;
	v3 =	vmul.f32 v3, v6  }
0x79: {  	v1 =	vld [tilespmem:s22+$0x8000];
	[tilespmem:s21+$0x10040] =	vst v5;
	v4 =	vmul.f32 v4, v8  }
0x7a: {  	v5 =	vld [tilespmem:s22+$0x4010];
	[tilespmem:s21+$0x10050] =	vst v3  }
0x7b: {  	v3 =	vld [tilespmem:s22+$0x8010];
	[tilespmem:s21+$0x10060] =	vst v4  }
0x7c: {  	v4 =	vld [tilespmem:s22+$0x4020]  }
0x7d: {  	v6 =	vld [tilespmem:s22+$0x8020]  }
0x7e: {  	v7 =	vld [tilespmem:s22+$0x4030]  }
0x7f: {  	v8 =	vld [tilespmem:s22+$0x8030]  }
0x80: {  	v11 =	vld [tilespmem:s22+$0x4050]  }
0x81: {  	v57 =	vld [tilespmem:s22+$0x8050]  }
0x82: {  	v13 =	vld [tilespmem:s22+$0x4060]  }
0x83: {  	v14 =	vld [tilespmem:s22+$0x8060]  }
0x84: {  	v2 =	vadd.f32 v12, v2;
	v15 =	vld [tilespmem:s22+$0x0]  }
0x85: {  	v16 =	vld [tilespmem:s22+$0x10]  }
0x86: {  	v17 =	vld [tilespmem:s22+$0x20];
	v2 =	vmul.f32 v2, v9  }
0x87: {  	v9 =	vld [tilespmem:s22+$0x8040]  }
0x88: {  	[tilespmem:s22+$0x10070] =	vst v2;
	v2 =	vld [tilespmem:s22+$0x4040]  }
0x89: {  	v1 =	vadd.f32 v1, v10;
	v10 =	vld [tilespmem:s22+$0x30]  }
0x8a: {  	v3 =	vadd.f32 v3, v5;
	v5 =	vld [tilespmem:s22+$0x40]  }
0x8b: {  	v4 =	vadd.f32 v6, v4;
	v1 =	vmul.f32 v1, v15;
	v6 =	vld [tilespmem:s22+$0x50]  }
0x8c: {  	v7 =	vadd.f32 v8, v7;
	v8 =	vld [tilespmem:s22+$0x60];
	v3 =	vmul.f32 v3, v16  }
0x8d: {  	[tilespmem:s22+$0x10000] =	vst v1;
	v1 =	vmul.f32 v4, v17;
	v2 =	vadd.f32 v9, v2  }
0x8e: {  	v4 =	vadd.f32 v57, v11;
	[tilespmem:s22+$0x10010] =	vst v3;
	v3 =	vmul.f32 v7, v10  }
0x8f: {  	v7 =	vadd.f32 v14, v13;
	[tilespmem:s22+$0x10020] =	vst v1;
	v1 =	vmul.f32 v2, v5  }
0x90: {  	[tilespmem:s22+$0x10030] =	vst v3;
	v2 =	vmul.f32 v4, v6  }
0x91: {  	[tilespmem:s22+$0x10040] =	vst v1;
	v1 =	vmul.f32 v7, v8  }
0x92: {  	[tilespmem:s22+$0x10050] =	vst v2  }
0x93: {  	s21 =	sshll.u32 s20, $0xE;
	[tilespmem:s22+$0x10060] =	vst v1  }
0x94: {  	[spmem:s7] =	stream.indirect.scatter.add.f32 [tilespmem:s13], [sflag:$0x3], $0x1, s5, s29, $0xb8;
	[tilespmem:$0x17A00] =	vst v63  }
0x95: {  	s24 =	sadd.s32 s21, s18;
	_ =	swait.ge [sflag:s30], $0x2000  }
0x96: {  	s22 =	sshrl.u32 s24, $0x3;
	[sflag:s30] =	ssyncset.done $0x0  }
0x97: {  	s24 =	simm.s32 $0x0;
	s23 =	sadd.s32 s0, s22;
	[sflag:s30] =	ssyncadd.s32 $0xFFFFE000  }
0x98: {  	[tilespmem:s24], [sflag:$0x1] =	stream.linear.gather [hbm4b:s23+s24], $0x2000, $0x38;
	[tilespmem:$0x17A00] =	vst v63  }
0x99: {  	s23 =	sadd.s32 s2, s22  }
0x9a: {  	[tilespmem:s31], [sflag:$0x1] =	stream.linear.gather [hbm4b:s23+s24], $0x2000, $0x38;
	[tilespmem:$0x17A00] =	vst v63  }
0x9b: {  	s23 =	sadd.s32 s3, s22  }
0x9c: {  	[tilespmem:s1], [sflag:$0x1] =	stream.linear.gather [hbm4b:s23+s24], $0x2000, $0x38;
	[tilespmem:$0x17A00] =	vst v63  }
0x9d: {  	s22 =	sadd.s32 s4, s22  }
0x9e: {  	[tilespmem:s5], [sflag:$0x1] =	stream.linear.gather [hbm4b:s22+s24], $0x2000, $0x38;
	[tilespmem:$0x17A00] =	vst v63  }
0x9f: {  	_ =	swait.ge [sflag:s14], $0x2000  }
0xa0: {  	[sflag:s14] =	ssyncset.done $0x0  }
0xa1: {  	[sflag:s14] =	ssyncadd.s32 $0xFFFFE000  }
0xa2: {  	_ =	swait.ge [sflag:s14], $0x2000  }
0xa3: {  	[sflag:s14] =	ssyncset.done $0x0  }
0xa4: {  	[sflag:s14] =	ssyncadd.s32 $0xFFFFE000  }
0xa5: {  	_ =	swait.ge [sflag:s14], $0x2000  }
0xa6: {  	[sflag:s14] =	ssyncset.done $0x0  }
0xa7: {  	[sflag:s14] =	ssyncadd.s32 $0xFFFFE000  }
0xa8: {  	_ =	swait.ge [sflag:s14], $0x2000  }
0xa9: {  	[sflag:s14] =	ssyncset.done $0x0  }
0xaa: {  	s22 =	simm.s32 $0x0;
	[sflag:s14] =	ssyncadd.s32 $0xFFFFE000  }
0xab: {  	v1 =	vld [tilespmem:s22+$0x6070]  }
0xac: {  	v2 =	vld [tilespmem:s22+$0xA070]  }
0xad: {  	v3 =	vld [tilespmem:s22+$0x6000]  }
0xae: {  	v4 =	vld [tilespmem:s22+$0x2070]  }
0xaf: {  	v5 =	vld [tilespmem:s22+$0xA000]  }
0xb0: {  	v6 =	vld [tilespmem:s22+$0x6010]  }
0xb1: {  	v8 =	vld [tilespmem:s22+$0xA010]  }
0xb2: {  	v10 =	vld [tilespmem:s22+$0xA020]  }
0xb3: {  	v11 =	vld [tilespmem:s22+$0xA030]  }
0xb4: {  	v58 =	vld [tilespmem:s22+$0x6040]  }
0xb5: {  	v59 =	vld [tilespmem:s22+$0xA040]  }
0xb6: {  	v60 =	vld [tilespmem:s22+$0x6050]  }
0xb7: {  	v61 =	vld [tilespmem:s22+$0xA050]  }
0xb8: {  	v62 =	vld [tilespmem:s22+$0x6060]  }
0xb9: {  	v63 =	vld [tilespmem:s22+$0xA060]  }
0xba: {  	v18 =	vld [tilespmem:s22+$0x2000];
	v1 =	vadd.f32 v2, v1  }
0xbb: {  	v2 =	vld [tilespmem:s22+$0x6020]  }
0xbc: {  	v1 =	vmul.f32 v1, v4;
	v4 =	vld [tilespmem:s22+$0x6030]  }
0xbd: {  	v19 =	vld [tilespmem:s22+$0x2010]  }
0xbe: {  	v20 =	vld [tilespmem:s22+$0x2020]  }
0xbf: {  	v9 =	vld [tilespmem:s22+$0x2030];
	v3 =	vadd.f32 v5, v3  }
0xc0: {  	v7 =	vld [tilespmem:s22+$0x2040];
	v21 =	vadd.f32 v8, v6  }
0xc1: {  	v6 =	vld [tilespmem:s22+$0x2050];
	[tilespmem:s22+$0x12070] =	vst v1;
	v22 =	vadd.f32 v10, v2;
	v1 =	vadd.f32 v11, v4;
	v11 =	vmul.f32 v3, v18  }
0xc2: {  	s23 =	simm.s32 $0x80;
	v8 =	vld [tilespmem:s22+$0x2060];
	v5 =	vadd.f32 v59, v58;
	v10 =	vmul.f32 v21, v19  }
0xc3: {  	s24 =	simm.s32 $0x400;
	v2 =	vld [tilespmem:s23+$0x6070];
	v3 =	vadd.f32 v61, v60;
	v4 =	vadd.f32 v63, v62;
	[tilespmem:s22+$0x12000] =	vst v11;
	v11 =	vmul.f32 v22, v20  }
.LBB2_7:
0xc4: {  	p1 =	sne.s32 s24, $0x7E00;
	v12 =	vld [tilespmem:s23+$0xA070];
	[tilespmem:s22+$0x12010] =	vst v10;
	v1 =	vmul.f32 v1, v9  }
0xc5: {  	v9 =	vld [tilespmem:s23+$0x6000];
	[tilespmem:s22+$0x12020] =	vst v11;
	v5 =	vmul.f32 v5, v7  }
0xc6: {  	v7 =	vld [tilespmem:s23+$0x2070];
	[tilespmem:s22+$0x12030] =	vst v1;
	v1 =	vmul.f32 v3, v6  }
0xc7: {  	v3 =	vld [tilespmem:s23+$0xA000];
	[tilespmem:s22+$0x12040] =	vst v5;
	v4 =	vmul.f32 v4, v8  }
0xc8: {  	v5 =	vld [tilespmem:s23+$0x6010];
	[tilespmem:s22+$0x12050] =	vst v1  }
0xc9: {  	v1 =	vld [tilespmem:s23+$0xA010];
	v2 =	vadd.f32 v12, v2;
	[tilespmem:s22+$0x12060] =	vst v4;
	s22 =	smov.u32 s23  }
0xca: {  	v4 =	vld [tilespmem:s22+$0x6020]  }
0xcb: {  	v6 =	vld [tilespmem:s22+$0xA020];
	v2 =	vmul.f32 v2, v7  }
0xcc: {  	v8 =	vadd.f32 v3, v9;
	v3 =	vld [tilespmem:s22+$0x6030]  }
0xcd: {  	v7 =	vld [tilespmem:s22+$0xA030];
	[tilespmem:s22+$0x12070] =	vst v2  }
0xce: {  	v2 =	vadd.f32 v1, v5;
	v5 =	vld [tilespmem:s22+$0x6040]  }
0xcf: {  	v9 =	vld [tilespmem:s22+$0xA040]  }
0xd0: {  	v11 =	vadd.f32 v6, v4;
	v4 =	vld [tilespmem:s22+$0x6050]  }
0xd1: {  	v6 =	vld [tilespmem:s22+$0xA050]  }
0xd2: {  	v1 =	vadd.f32 v7, v3;
	v10 =	vld [tilespmem:s22+$0x6060]  }
0xd3: {  	v12 =	vld [tilespmem:s22+$0xA060]  }
0xd4: {  	v13 =	vld [tilespmem:s22+$0x2000];
	v5 =	vadd.f32 v9, v5  }
0xd5: {  	v14 =	vld [tilespmem:s22+$0x2010]  }
0xd6: {  	v15 =	vld [tilespmem:s22+$0x2020];
	v3 =	vadd.f32 v6, v4  }
.Ltmp2:
0xd7: {  	v9 =	vld [tilespmem:s22+$0x2030];
	(pc) =	sbr.rel @p1 .LBB2_7-.Ltmp2, $4  }
0xd8: {  	v7 =	vld [tilespmem:s22+$0x2040];
	v4 =	vadd.f32 v12, v10  }
0xd9: {  	v12 =	vmul.f32 v8, v13;
	v6 =	vld [tilespmem:s22+$0x2050]  }
0xda: {  	s23 =	sshra.s32 s24, $0x2;
	v10 =	vmul.f32 v2, v14;
	v8 =	vld [tilespmem:s22+$0x2060]  }
0xdb: {  	s24 =	sadd.s32 $0x200, s24;
	v2 =	vld [tilespmem:s23+$0x6070];
	[tilespmem:s22+$0x12000] =	vst v12;
	v11 =	vmul.f32 v11, v15  }
0xdc: {  	v12 =	vld [tilespmem:s23+$0xA070];
	[tilespmem:s22+$0x12010] =	vst v10;
	v1 =	vmul.f32 v1, v9  }
0xdd: {  	v10 =	vld [tilespmem:s23+$0x6000];
	[tilespmem:s22+$0x12020] =	vst v11;
	v5 =	vmul.f32 v5, v7  }
0xde: {  	v52 =	vld [tilespmem:s23+$0x2070];
	[tilespmem:s22+$0x12030] =	vst v1;
	v3 =	vmul.f32 v3, v6  }
0xdf: {  	v1 =	vld [tilespmem:s23+$0xA000];
	[tilespmem:s22+$0x12040] =	vst v5;
	v4 =	vmul.f32 v4, v8  }
0xe0: {  	v5 =	vld [tilespmem:s23+$0x6010];
	[tilespmem:s22+$0x12050] =	vst v3  }
0xe1: {  	v3 =	vld [tilespmem:s23+$0xA010];
	[tilespmem:s22+$0x12060] =	vst v4  }
0xe2: {  	v4 =	vld [tilespmem:s23+$0x6020]  }
0xe3: {  	v53 =	vld [tilespmem:s23+$0xA020]  }
0xe4: {  	v54 =	vld [tilespmem:s23+$0x6030]  }
0xe5: {  	v55 =	vld [tilespmem:s23+$0xA030]  }
0xe6: {  	v56 =	vld [tilespmem:s23+$0xA040]  }
0xe7: {  	v11 =	vld [tilespmem:s23+$0x6050]  }
0xe8: {  	v57 =	vld [tilespmem:s23+$0xA050]  }
0xe9: {  	v13 =	vld [tilespmem:s23+$0x6060]  }
0xea: {  	v2 =	vadd.f32 v12, v2;
	v14 =	vld [tilespmem:s23+$0xA060]  }
0xeb: {  	v15 =	vld [tilespmem:s23+$0x2000]  }
0xec: {  	v16 =	vld [tilespmem:s23+$0x2010];
	v2 =	vmul.f32 v2, v52  }
0xed: {  	v17 =	vld [tilespmem:s23+$0x2020]  }
0xee: {  	[tilespmem:s23+$0x12070] =	vst v2;
	v2 =	vld [tilespmem:s23+$0x6040]  }
0xef: {  	v58 =	vld [tilespmem:s23+$0x2030];
	v1 =	vadd.f32 v1, v10  }
0xf0: {  	v59 =	vld [tilespmem:s23+$0x2040];
	v3 =	vadd.f32 v3, v5  }
0xf1: {  	v60 =	vld [tilespmem:s23+$0x2050];
	v4 =	vadd.f32 v53, v4;
	v1 =	vmul.f32 v1, v15  }
0xf2: {  	v61 =	vld [tilespmem:s23+$0x2060];
	v7 =	vadd.f32 v55, v54;
	v3 =	vmul.f32 v3, v16  }
0xf3: {  	[tilespmem:s23+$0x12000] =	vst v1;
	v1 =	vmul.f32 v4, v17;
	v2 =	vadd.f32 v56, v2  }
0xf4: {  	v62 =	vadd.f32 v57, v11;
	[tilespmem:s23+$0x12010] =	vst v3;
	v3 =	vmul.f32 v7, v58  }
0xf5: {  	v63 =	vadd.f32 v14, v13;
	[tilespmem:s23+$0x12020] =	vst v1;
	v1 =	vmul.f32 v2, v59  }
0xf6: {  	[tilespmem:s23+$0x12030] =	vst v3;
	v2 =	vmul.f32 v62, v60  }
0xf7: {  	[tilespmem:s23+$0x12040] =	vst v1;
	v1 =	vmul.f32 v63, v61  }
0xf8: {  	[tilespmem:s23+$0x12050] =	vst v2  }
0xf9: {  	[tilespmem:s23+$0x12060] =	vst v1  }
0xfa: {  	[spmem:s7] =	stream.indirect.scatter.add.f32 [tilespmem:s15], [sflag:$0x3], $0x1, s11, s29, $0xb8;
	[tilespmem:$0x17A00] =	vst v63  }
0xfb: {  	s21 =	sadd.s32 s21, s19;
	_ =	swait.ge [sflag:s30], $0x2000  }
0xfc: {  	s21 =	sshrl.u32 s21, $0x3;
	[sflag:s30] =	ssyncset.done $0x0  }
0xfd: {  	s20 =	sadd.s32 $0x1, s20;
	s24 =	sadd.s32 s0, s21;
	[sflag:s30] =	ssyncadd.s32 $0xFFFFE000  }
0xfe: {  	[tilespmem:s29], [sflag:$0x2] =	stream.linear.gather [hbm4b:s24+s8], $0x2000, $0x38;
	[tilespmem:$0x17A00] =	vst v63  }
0xff: {  	p1 =	sne.s32 s20, $0x5;
	s23 =	sadd.s32 s2, s21  }
0x100: {  	[tilespmem:s6], [sflag:$0x2] =	stream.linear.gather [hbm4b:s23+s8], $0x2000, $0x38;
	[tilespmem:$0x17A00] =	vst v63  }
.Ltmp3:
0x101: {  	_ = 	snop;
	(pc) =	sbr.rel @p1 .LBB2_4-.Ltmp3, $4  }
0x102: {  	s24 =	sadd.s32 s3, s21  }
0x103: {  	[tilespmem:s10], [sflag:$0x2] =	stream.linear.gather [hbm4b:s24+s8], $0x2000, $0x38;
	[tilespmem:$0x17A00] =	vst v63  }
0x104: {  	s21 =	sadd.s32 s4, s21  }
0x105: {  	[tilespmem:s11], [sflag:$0x2] =	stream.linear.gather [hbm4b:s21+s8], $0x2000, $0x38;
	[tilespmem:$0x17A00] =	vst v63  }
0x106: {  	_ =	swait.ge [sflag:s12], $0x2000  }
0x107: {  	[sflag:s12] =	ssyncset.done $0x0  }
0x108: {  	[sflag:s12] =	ssyncadd.s32 $0xFFFFE000  }
0x109: {  	_ =	swait.ge [sflag:s12], $0x2000  }
0x10a: {  	[sflag:s12] =	ssyncset.done $0x0  }
0x10b: {  	[sflag:s12] =	ssyncadd.s32 $0xFFFFE000  }
0x10c: {  	_ =	swait.ge [sflag:s12], $0x2000  }
0x10d: {  	[sflag:s12] =	ssyncset.done $0x0  }
0x10e: {  	[sflag:s12] =	ssyncadd.s32 $0xFFFFE000  }
0x10f: {  	_ =	swait.ge [sflag:s12], $0x2000  }
0x110: {  	[sflag:s12] =	ssyncset.done $0x0  }
0x111: {  	s20 =	simm.s32 $0x0;
	[sflag:s12] =	ssyncadd.s32 $0xFFFFE000  }
0x112: {  	v1 =	vld [tilespmem:s20+$0x4070]  }
0x113: {  	v2 =	vld [tilespmem:s20+$0x8070]  }
0x114: {  	v3 =	vld [tilespmem:s20+$0x4000]  }
0x115: {  	v4 =	vld [tilespmem:s20+$0x70]  }
0x116: {  	v5 =	vld [tilespmem:s20+$0x8000]  }
0x117: {  	v6 =	vld [tilespmem:s20+$0x4010]  }
0x118: {  	v8 =	vld [tilespmem:s20+$0x8010]  }
0x119: {  	v10 =	vld [tilespmem:s20+$0x8020]  }
0x11a: {  	v11 =	vld [tilespmem:s20+$0x8030]  }
0x11b: {  	v12 =	vld [tilespmem:s20+$0x4040]  }
0x11c: {  	v13 =	vld [tilespmem:s20+$0x8040]  }
0x11d: {  	v14 =	vld [tilespmem:s20+$0x4050]  }
0x11e: {  	v15 =	vld [tilespmem:s20+$0x8050]  }
0x11f: {  	v16 =	vld [tilespmem:s20+$0x4060]  }
0x120: {  	v17 =	vld [tilespmem:s20+$0x8060]  }
0x121: {  	v18 =	vld [tilespmem:s20+$0x0];
	v1 =	vadd.f32 v2, v1  }
0x122: {  	v2 =	vld [tilespmem:s20+$0x4020]  }
0x123: {  	v1 =	vmul.f32 v1, v4;
	v4 =	vld [tilespmem:s20+$0x4030]  }
0x124: {  	v19 =	vld [tilespmem:s20+$0x10]  }
0x125: {  	v20 =	vld [tilespmem:s20+$0x20]  }
0x126: {  	v9 =	vld [tilespmem:s20+$0x30];
	v3 =	vadd.f32 v5, v3  }
0x127: {  	v7 =	vld [tilespmem:s20+$0x40];
	v21 =	vadd.f32 v8, v6  }
0x128: {  	v6 =	vld [tilespmem:s20+$0x50];
	[tilespmem:s20+$0x10070] =	vst v1;
	v22 =	vadd.f32 v10, v2;
	v1 =	vadd.f32 v11, v4;
	v11 =	vmul.f32 v3, v18  }
0x129: {  	s21 =	simm.s32 $0x80;
	v8 =	vld [tilespmem:s20+$0x60];
	v5 =	vadd.f32 v13, v12;
	v10 =	vmul.f32 v21, v19  }
0x12a: {  	s22 =	simm.s32 $0x400;
	v2 =	vld [tilespmem:s21+$0x4070];
	v3 =	vadd.f32 v15, v14;
	v4 =	vadd.f32 v17, v16;
	[tilespmem:s20+$0x10000] =	vst v11;
	v11 =	vmul.f32 v22, v20  }
.LBB2_10:
0x12b: {  	p1 =	sne.s32 s22, $0x7E00;
	v12 =	vld [tilespmem:s21+$0x8070];
	[tilespmem:s20+$0x10010] =	vst v10;
	v1 =	vmul.f32 v1, v9  }
0x12c: {  	v9 =	vld [tilespmem:s21+$0x4000];
	[tilespmem:s20+$0x10020] =	vst v11;
	v5 =	vmul.f32 v5, v7  }
0x12d: {  	v7 =	vld [tilespmem:s21+$0x70];
	[tilespmem:s20+$0x10030] =	vst v1;
	v1 =	vmul.f32 v3, v6  }
0x12e: {  	v3 =	vld [tilespmem:s21+$0x8000];
	[tilespmem:s20+$0x10040] =	vst v5;
	v4 =	vmul.f32 v4, v8  }
0x12f: {  	v5 =	vld [tilespmem:s21+$0x4010];
	[tilespmem:s20+$0x10050] =	vst v1  }
0x130: {  	v1 =	vld [tilespmem:s21+$0x8010];
	v2 =	vadd.f32 v12, v2;
	[tilespmem:s20+$0x10060] =	vst v4;
	s20 =	smov.u32 s21  }
0x131: {  	v4 =	vld [tilespmem:s20+$0x4020]  }
0x132: {  	v6 =	vld [tilespmem:s20+$0x8020];
	v2 =	vmul.f32 v2, v7  }
0x133: {  	v8 =	vadd.f32 v3, v9;
	v3 =	vld [tilespmem:s20+$0x4030]  }
0x134: {  	v7 =	vld [tilespmem:s20+$0x8030];
	[tilespmem:s20+$0x10070] =	vst v2  }
0x135: {  	v2 =	vadd.f32 v1, v5;
	v5 =	vld [tilespmem:s20+$0x4040]  }
0x136: {  	v9 =	vld [tilespmem:s20+$0x8040]  }
0x137: {  	v11 =	vadd.f32 v6, v4;
	v4 =	vld [tilespmem:s20+$0x4050]  }
0x138: {  	v6 =	vld [tilespmem:s20+$0x8050]  }
0x139: {  	v1 =	vadd.f32 v7, v3;
	v10 =	vld [tilespmem:s20+$0x4060]  }
0x13a: {  	v12 =	vld [tilespmem:s20+$0x8060]  }
0x13b: {  	v13 =	vld [tilespmem:s20+$0x0];
	v5 =	vadd.f32 v9, v5  }
0x13c: {  	v14 =	vld [tilespmem:s20+$0x10]  }
0x13d: {  	v15 =	vld [tilespmem:s20+$0x20];
	v3 =	vadd.f32 v6, v4  }
.Ltmp4:
0x13e: {  	v9 =	vld [tilespmem:s20+$0x30];
	(pc) =	sbr.rel @p1 .LBB2_10-.Ltmp4, $4  }
0x13f: {  	v7 =	vld [tilespmem:s20+$0x40];
	v4 =	vadd.f32 v12, v10  }
0x140: {  	v12 =	vmul.f32 v8, v13;
	v6 =	vld [tilespmem:s20+$0x50]  }
0x141: {  	s21 =	sshra.s32 s22, $0x2;
	v10 =	vmul.f32 v2, v14;
	v8 =	vld [tilespmem:s20+$0x60]  }
0x142: {  	s22 =	sadd.s32 $0x200, s22;
	v2 =	vld [tilespmem:s21+$0x4070];
	[tilespmem:s20+$0x10000] =	vst v12;
	v11 =	vmul.f32 v11, v15  }
0x143: {  	v12 =	vld [tilespmem:s21+$0x8070];
	[tilespmem:s20+$0x10010] =	vst v10;
	v1 =	vmul.f32 v1, v9  }
0x144: {  	v10 =	vld [tilespmem:s21+$0x4000];
	[tilespmem:s20+$0x10020] =	vst v11;
	v5 =	vmul.f32 v5, v7  }
0x145: {  	v9 =	vld [tilespmem:s21+$0x70];
	[tilespmem:s20+$0x10030] =	vst v1;
	v3 =	vmul.f32 v3, v6  }
0x146: {  	v1 =	vld [tilespmem:s21+$0x8000];
	[tilespmem:s20+$0x10040] =	vst v5;
	v4 =	vmul.f32 v4, v8  }
0x147: {  	v5 =	vld [tilespmem:s21+$0x4010];
	[tilespmem:s20+$0x10050] =	vst v3  }
0x148: {  	v3 =	vld [tilespmem:s21+$0x8010];
	[tilespmem:s20+$0x10060] =	vst v4  }
0x149: {  	v4 =	vld [tilespmem:s21+$0x4020]  }
0x14a: {  	v6 =	vld [tilespmem:s21+$0x8020]  }
0x14b: {  	v7 =	vld [tilespmem:s21+$0x4030]  }
0x14c: {  	v8 =	vld [tilespmem:s21+$0x8030]  }
0x14d: {  	v11 =	vld [tilespmem:s21+$0x4050]  }
0x14e: {  	v57 =	vld [tilespmem:s21+$0x8050]  }
0x14f: {  	v13 =	vld [tilespmem:s21+$0x4060]  }
0x150: {  	v14 =	vld [tilespmem:s21+$0x8060]  }
0x151: {  	v2 =	vadd.f32 v12, v2;
	v15 =	vld [tilespmem:s21+$0x0]  }
0x152: {  	v16 =	vld [tilespmem:s21+$0x10]  }
0x153: {  	v17 =	vld [tilespmem:s21+$0x20];
	v2 =	vmul.f32 v2, v9  }
0x154: {  	v9 =	vld [tilespmem:s21+$0x8040]  }
0x155: {  	[tilespmem:s21+$0x10070] =	vst v2;
	v2 =	vld [tilespmem:s21+$0x4040]  }
0x156: {  	v1 =	vadd.f32 v1, v10;
	v10 =	vld [tilespmem:s21+$0x30]  }
0x157: {  	v3 =	vadd.f32 v3, v5;
	v5 =	vld [tilespmem:s21+$0x40]  }
0x158: {  	v4 =	vadd.f32 v6, v4;
	v1 =	vmul.f32 v1, v15;
	v6 =	vld [tilespmem:s21+$0x50]  }
0x159: {  	v7 =	vadd.f32 v8, v7;
	v8 =	vld [tilespmem:s21+$0x60];
	v3 =	vmul.f32 v3, v16  }
0x15a: {  	[tilespmem:s21+$0x10000] =	vst v1;
	v1 =	vmul.f32 v4, v17;
	v2 =	vadd.f32 v9, v2  }
0x15b: {  	v4 =	vadd.f32 v57, v11;
	[tilespmem:s21+$0x10010] =	vst v3;
	v3 =	vmul.f32 v7, v10  }
0x15c: {  	v7 =	vadd.f32 v14, v13;
	[tilespmem:s21+$0x10020] =	vst v1;
	v1 =	vmul.f32 v2, v5  }
0x15d: {  	[tilespmem:s21+$0x10030] =	vst v3;
	v2 =	vmul.f32 v4, v6  }
0x15e: {  	[tilespmem:s21+$0x10040] =	vst v1;
	v1 =	vmul.f32 v7, v8  }
0x15f: {  	[tilespmem:s21+$0x10050] =	vst v2  }
0x160: {  	[tilespmem:s21+$0x10060] =	vst v1  }
0x161: {  	[spmem:s7] =	stream.indirect.scatter.add.f32 [tilespmem:s13], [sflag:$0x3], $0x1, s5, s29, $0xb8;
	[tilespmem:$0x17A00] =	vst v63  }
0x162: {  	_ =	swait.ge [sflag:s30], $0x2000  }
0x163: {  	[sflag:s30] =	ssyncset.done $0x0  }
0x164: {  	[sflag:s30] =	ssyncadd.s32 $0xFFFFE000  }
0x165: {  	_ =	swait.ge [sflag:s14], $0x2000  }
0x166: {  	[sflag:s14] =	ssyncset.done $0x0  }
0x167: {  	[sflag:s14] =	ssyncadd.s32 $0xFFFFE000  }
0x168: {  	_ =	swait.ge [sflag:s14], $0x2000  }
0x169: {  	[sflag:s14] =	ssyncset.done $0x0  }
0x16a: {  	[sflag:s14] =	ssyncadd.s32 $0xFFFFE000  }
0x16b: {  	_ =	swait.ge [sflag:s14], $0x2000  }
0x16c: {  	[sflag:s14] =	ssyncset.done $0x0  }
0x16d: {  	[sflag:s14] =	ssyncadd.s32 $0xFFFFE000  }
0x16e: {  	_ =	swait.ge [sflag:s14], $0x2000  }
0x16f: {  	[sflag:s14] =	ssyncset.done $0x0  }
0x170: {  	s20 =	simm.s32 $0x0;
	[sflag:s14] =	ssyncadd.s32 $0xFFFFE000  }
0x171: {  	v1 =	vld [tilespmem:s20+$0x6070]  }
0x172: {  	v2 =	vld [tilespmem:s20+$0xA070]  }
0x173: {  	v3 =	vld [tilespmem:s20+$0x6000]  }
0x174: {  	v4 =	vld [tilespmem:s20+$0x2070]  }
0x175: {  	v5 =	vld [tilespmem:s20+$0xA000]  }
0x176: {  	v6 =	vld [tilespmem:s20+$0x6010]  }
0x177: {  	v8 =	vld [tilespmem:s20+$0xA010]  }
0x178: {  	v10 =	vld [tilespmem:s20+$0xA020]  }
0x179: {  	v11 =	vld [tilespmem:s20+$0xA030]  }
0x17a: {  	v58 =	vld [tilespmem:s20+$0x6040]  }
0x17b: {  	v59 =	vld [tilespmem:s20+$0xA040]  }
0x17c: {  	v60 =	vld [tilespmem:s20+$0x6050]  }
0x17d: {  	v61 =	vld [tilespmem:s20+$0xA050]  }
0x17e: {  	v62 =	vld [tilespmem:s20+$0x6060]  }
0x17f: {  	v63 =	vld [tilespmem:s20+$0xA060]  }
0x180: {  	v18 =	vld [tilespmem:s20+$0x2000];
	v1 =	vadd.f32 v2, v1  }
0x181: {  	v2 =	vld [tilespmem:s20+$0x6020]  }
0x182: {  	v1 =	vmul.f32 v1, v4;
	v4 =	vld [tilespmem:s20+$0x6030]  }
0x183: {  	v19 =	vld [tilespmem:s20+$0x2010]  }
0x184: {  	v20 =	vld [tilespmem:s20+$0x2020]  }
0x185: {  	v9 =	vld [tilespmem:s20+$0x2030];
	v3 =	vadd.f32 v5, v3  }
0x186: {  	v7 =	vld [tilespmem:s20+$0x2040];
	v21 =	vadd.f32 v8, v6  }
0x187: {  	v6 =	vld [tilespmem:s20+$0x2050];
	[tilespmem:s20+$0x12070] =	vst v1;
	v22 =	vadd.f32 v10, v2;
	v1 =	vadd.f32 v11, v4;
	v11 =	vmul.f32 v3, v18  }
0x188: {  	s21 =	simm.s32 $0x80;
	v8 =	vld [tilespmem:s20+$0x2060];
	v5 =	vadd.f32 v59, v58;
	v10 =	vmul.f32 v21, v19  }
0x189: {  	s22 =	simm.s32 $0x400;
	v2 =	vld [tilespmem:s21+$0x6070];
	v3 =	vadd.f32 v61, v60;
	v4 =	vadd.f32 v63, v62;
	[tilespmem:s20+$0x12000] =	vst v11;
	v11 =	vmul.f32 v22, v20  }
.LBB2_12:
0x18a: {  	p1 =	sne.s32 s22, $0x7E00;
	v12 =	vld [tilespmem:s21+$0xA070];
	[tilespmem:s20+$0x12010] =	vst v10;
	v1 =	vmul.f32 v1, v9  }
0x18b: {  	v9 =	vld [tilespmem:s21+$0x6000];
	[tilespmem:s20+$0x12020] =	vst v11;
	v5 =	vmul.f32 v5, v7  }
0x18c: {  	v7 =	vld [tilespmem:s21+$0x2070];
	[tilespmem:s20+$0x12030] =	vst v1;
	v1 =	vmul.f32 v3, v6  }
0x18d: {  	v3 =	vld [tilespmem:s21+$0xA000];
	[tilespmem:s20+$0x12040] =	vst v5;
	v4 =	vmul.f32 v4, v8  }
0x18e: {  	v5 =	vld [tilespmem:s21+$0x6010];
	[tilespmem:s20+$0x12050] =	vst v1  }
0x18f: {  	v1 =	vld [tilespmem:s21+$0xA010];
	v2 =	vadd.f32 v12, v2;
	[tilespmem:s20+$0x12060] =	vst v4;
	s20 =	smov.u32 s21  }
0x190: {  	v4 =	vld [tilespmem:s20+$0x6020]  }
0x191: {  	v6 =	vld [tilespmem:s20+$0xA020];
	v2 =	vmul.f32 v2, v7  }
0x192: {  	v8 =	vadd.f32 v3, v9;
	v3 =	vld [tilespmem:s20+$0x6030]  }
0x193: {  	v7 =	vld [tilespmem:s20+$0xA030];
	[tilespmem:s20+$0x12070] =	vst v2  }
0x194: {  	v2 =	vadd.f32 v1, v5;
	v5 =	vld [tilespmem:s20+$0x6040]  }
0x195: {  	v9 =	vld [tilespmem:s20+$0xA040]  }
0x196: {  	v11 =	vadd.f32 v6, v4;
	v4 =	vld [tilespmem:s20+$0x6050]  }
0x197: {  	v6 =	vld [tilespmem:s20+$0xA050]  }
0x198: {  	v1 =	vadd.f32 v7, v3;
	v10 =	vld [tilespmem:s20+$0x6060]  }
0x199: {  	v12 =	vld [tilespmem:s20+$0xA060]  }
0x19a: {  	v13 =	vld [tilespmem:s20+$0x2000];
	v5 =	vadd.f32 v9, v5  }
0x19b: {  	v14 =	vld [tilespmem:s20+$0x2010]  }
0x19c: {  	v15 =	vld [tilespmem:s20+$0x2020];
	v3 =	vadd.f32 v6, v4  }
.Ltmp5:
0x19d: {  	v9 =	vld [tilespmem:s20+$0x2030];
	(pc) =	sbr.rel @p1 .LBB2_12-.Ltmp5, $4  }
0x19e: {  	v7 =	vld [tilespmem:s20+$0x2040];
	v4 =	vadd.f32 v12, v10  }
0x19f: {  	v12 =	vmul.f32 v8, v13;
	v6 =	vld [tilespmem:s20+$0x2050]  }
0x1a0: {  	s21 =	sshra.s32 s22, $0x2;
	v10 =	vmul.f32 v2, v14;
	v8 =	vld [tilespmem:s20+$0x2060]  }
0x1a1: {  	s22 =	sadd.s32 $0x200, s22;
	v2 =	vld [tilespmem:s21+$0x6070];
	[tilespmem:s20+$0x12000] =	vst v12;
	v11 =	vmul.f32 v11, v15  }
0x1a2: {  	v12 =	vld [tilespmem:s21+$0xA070];
	[tilespmem:s20+$0x12010] =	vst v10;
	v1 =	vmul.f32 v1, v9  }
0x1a3: {  	v10 =	vld [tilespmem:s21+$0x6000];
	[tilespmem:s20+$0x12020] =	vst v11;
	v5 =	vmul.f32 v5, v7  }
0x1a4: {  	v59 =	vld [tilespmem:s21+$0x2070];
	[tilespmem:s20+$0x12030] =	vst v1;
	v3 =	vmul.f32 v3, v6  }
0x1a5: {  	v1 =	vld [tilespmem:s21+$0xA000];
	[tilespmem:s20+$0x12040] =	vst v5;
	v4 =	vmul.f32 v4, v8  }
0x1a6: {  	v5 =	vld [tilespmem:s21+$0x6010];
	[tilespmem:s20+$0x12050] =	vst v3  }
0x1a7: {  	v3 =	vld [tilespmem:s21+$0xA010];
	[tilespmem:s20+$0x12060] =	vst v4  }
0x1a8: {  	v4 =	vld [tilespmem:s21+$0x6020]  }
0x1a9: {  	v6 =	vld [tilespmem:s21+$0xA020]  }
0x1aa: {  	v7 =	vld [tilespmem:s21+$0x6030]  }
0x1ab: {  	v8 =	vld [tilespmem:s21+$0xA030]  }
0x1ac: {  	v60 =	vld [tilespmem:s21+$0xA040]  }
0x1ad: {  	v11 =	vld [tilespmem:s21+$0x6050]  }
0x1ae: {  	v61 =	vld [tilespmem:s21+$0xA050]  }
0x1af: {  	v13 =	vld [tilespmem:s21+$0x6060]  }
0x1b0: {  	v2 =	vadd.f32 v12, v2;
	v14 =	vld [tilespmem:s21+$0xA060]  }
0x1b1: {  	v15 =	vld [tilespmem:s21+$0x2000]  }
0x1b2: {  	v16 =	vld [tilespmem:s21+$0x2010];
	v2 =	vmul.f32 v2, v59  }
0x1b3: {  	v17 =	vld [tilespmem:s21+$0x2020]  }
0x1b4: {  	[tilespmem:s21+$0x12070] =	vst v2;
	v2 =	vld [tilespmem:s21+$0x6040]  }
0x1b5: {  	v62 =	vld [tilespmem:s21+$0x2030];
	v1 =	vadd.f32 v1, v10  }
0x1b6: {  	v3 =	vadd.f32 v3, v5;
	v5 =	vld [tilespmem:s21+$0x2040]  }
0x1b7: {  	v4 =	vadd.f32 v6, v4;
	v1 =	vmul.f32 v1, v15;
	v6 =	vld [tilespmem:s21+$0x2050]  }
0x1b8: {  	v7 =	vadd.f32 v8, v7;
	v8 =	vld [tilespmem:s21+$0x2060];
	v3 =	vmul.f32 v3, v16  }
0x1b9: {  	[tilespmem:s21+$0x12000] =	vst v1;
	v1 =	vmul.f32 v4, v17;
	v2 =	vadd.f32 v60, v2  }
0x1ba: {  	v4 =	vadd.f32 v61, v11;
	[tilespmem:s21+$0x12010] =	vst v3;
	v3 =	vmul.f32 v7, v62  }
0x1bb: {  	v7 =	vadd.f32 v14, v13;
	[tilespmem:s21+$0x12020] =	vst v1;
	v1 =	vmul.f32 v2, v5  }
0x1bc: {  	[tilespmem:s21+$0x12030] =	vst v3;
	v2 =	vmul.f32 v4, v6  }
0x1bd: {  	[tilespmem:s21+$0x12040] =	vst v1;
	v1 =	vmul.f32 v7, v8  }
0x1be: {  	[tilespmem:s21+$0x12050] =	vst v2  }
0x1bf: {  	[tilespmem:s21+$0x12060] =	vst v1  }
0x1c0: {  	[spmem:s7] =	stream.indirect.scatter.add.f32 [tilespmem:s15], [sflag:$0x3], $0x1, s11, s29, $0xb8;
	[tilespmem:$0x17A00] =	vst v63  }
0x1c1: {  	_ =	swait.ge [sflag:s30], $0x2000  }
0x1c2: {  	[sflag:s30] =	ssyncset.done $0x0  }
0x1c3: {  	s20 =	simm.s32 $0x0;
	s24 =	rddreg [dreg:$0x10];
	[sflag:s30] =	ssyncadd.s32 $0xFFFFE000  }
0x1c4: {  	[tilespmem:s20], [sflag:$0x3] =	stream.linear.gather [hbm4b:s24+s20], $0x6A0, $0x38;
	[tilespmem:$0x17A00] =	vst v63  }
0x1c5: {  	_ =	swait.ge [sflag:s30], $0x6A0  }
0x1c6: {  	[sflag:s30] =	ssyncset.done $0x0  }
0x1c7: {  	s22 =	rddreg [dreg:$0x11];
	[sflag:s30] =	ssyncadd.s32 $0xFFFFF960  }
0x1c8: {  	[tilespmem:s31], [sflag:$0x3] =	stream.linear.gather [hbm4b:s22+s20], $0x6A0, $0x38;
	[tilespmem:$0x17A00] =	vst v63  }
0x1c9: {  	_ =	swait.ge [sflag:s30], $0x6A0  }
0x1ca: {  	[sflag:s30] =	ssyncset.done $0x0  }
0x1cb: {  	s23 =	rddreg [dreg:$0x12];
	[sflag:s30] =	ssyncadd.s32 $0xFFFFF960  }
0x1cc: {  	[tilespmem:s1], [sflag:$0x3] =	stream.linear.gather [hbm4b:s23+s20], $0x6A0, $0x38;
	[tilespmem:$0x17A00] =	vst v63  }
0x1cd: {  	_ =	swait.ge [sflag:s30], $0x6A0  }
0x1ce: {  	[sflag:s30] =	ssyncset.done $0x0  }
0x1cf: {  	s24 =	rddreg [dreg:$0x13];
	[sflag:s30] =	ssyncadd.s32 $0xFFFFF960  }
0x1d0: {  	[tilespmem:s16], [sflag:$0x3] =	stream.linear.gather [hbm4b:s24+s20], $0x6A0, $0x38;
	[tilespmem:$0x17A00] =	vst v63  }
0x1d1: {  	_ =	swait.ge [sflag:s30], $0x6A0  }
0x1d2: {  	[sflag:s30] =	ssyncset.done $0x0  }
0x1d3: {  	s20 =	simm.s32 $0x0;
	[sflag:s30] =	ssyncadd.s32 $0xFFFFF960  }
0x1d4: {  	v3 =	vld [tilespmem:s20+$0x4010]  }
0x1d5: {  	v4 =	vld [tilespmem:s20+$0x8010]  }
0x1d6: {  	v7 =	vld [tilespmem:s20+$0x4000]  }
0x1d7: {  	v6 =	vld [tilespmem:s20+$0x10]  }
0x1d8: {  	v8 =	vld [tilespmem:s20+$0x8000]  }
0x1d9: {  	s21 =	simm.s32 $0x20;
	v1 =	vld [tilespmem:s20+$0x0]  }
0x1da: {  	v2 =	vld [tilespmem:s21+$0x4010];
	v3 =	vadd.f32 v4, v3  }
0x1db: {  	v4 =	vld [tilespmem:s21+$0x8010]  }
0x1dc: {  	v5 =	vld [tilespmem:s21+$0x4000];
	v63 =	vmul.f32 v3, v6  }
0x1dd: {  	v7 =	vadd.f32 v8, v7;
	v3 =	vld [tilespmem:s21+$0x10]  }
0x1de: {  	s22 =	simm.s32 $0x100;
	v6 =	vld [tilespmem:s21+$0x8000];
	[tilespmem:s20+$0x10010] =	vst v63  }
.LBB2_14:
0x1df: {  	s23 =	sshra.s32 s22, $0x2;
	v9 =	vmul.f32 v7, v1;
	v1 =	vld [tilespmem:s21+$0x0];
	p1 =	sne.s32 s22, $0x1A00  }
.Ltmp6:
0x1e0: {  	s22 =	sadd.s32 $0x80, s22;
	v8 =	vadd.f32 v4, v2;
	v2 =	vld [tilespmem:s23+$0x4010];
	(pc) =	sbr.rel @p1 .LBB2_14-.Ltmp6, $4  }
0x1e1: {  	v4 =	vld [tilespmem:s23+$0x8010];
	[tilespmem:s20+$0x10000] =	vst v9;
	v7 =	vmov v5;
	s20 =	smov.u32 s21;
	s21 =	smov.u32 s23  }
0x1e2: {  	v5 =	vld [tilespmem:s21+$0x4000];
	v8 =	vmul.f32 v8, v3  }
0x1e3: {  	v3 =	vld [tilespmem:s21+$0x10];
	v7 =	vadd.f32 v6, v7  }
0x1e4: {  	v6 =	vld [tilespmem:s21+$0x8000];
	[tilespmem:s20+$0x10010] =	vst v8  }
0x1e5: {  	_ = 	snop  }
0x1e6: {  	v8 =	vld [tilespmem:s21+$0x0];
	_ =	sdelay $0x1  }
0x1e7: {  	v2 =	vadd.f32 v4, v2  }
0x1e8: {  	v1 =	vmul.f32 v7, v1;
	v63 =	vadd.f32 v6, v5  }
0x1e9: {  	v2 =	vmul.f32 v2, v3  }
0x1ea: {  	[tilespmem:s20+$0x10000] =	vst v1;
	v1 =	vmul.f32 v63, v8  }
0x1eb: {  	[tilespmem:s21+$0x10010] =	vst v2  }
0x1ec: {  	s23 =	simm.s32 $0x6A0;
	[tilespmem:s21+$0x10000] =	vst v1  }
0x1ed: {  	[spmem:s7] =	stream.indirect.scatter.add.f32 [tilespmem:s13], [sflag:$0x3], $0x1, s16, s23, $0xb8;
	[tilespmem:$0x17A00] =	vst v63  }
0x1ee: {  	_ =	swait.ge [sflag:s30], $0x6A0  }
0x1ef: {  	s22 =	simm.s32 @!p0 $0x3;
	[sflag:s30] =	ssyncset.done $0x0  }
0x1f0: {  	s20 =	simm.s32 @!p0 $0x0;
	s21 =	simm.s32 @!p0 $0x14700;
	[sflag:s30] =	ssyncadd.s32 $0xFFFFF960  }
0x1f1: {  	[tilespmem:s21], [sflag:$0x3] =	stream.linear.gather @!p0 [hbm4b:s2+s20], $0x10, $0x38;
	[tilespmem:$0x17A00] =	vst v63  }
0x1f2: {  	_ =	swait.ge @!p0 [sflag:s22], $0x10  }
0x1f3: {  	[sflag:s22] =	ssyncset.done @!p0 $0x0  }
0x1f4: {  	s23 =	simm.s32 @!p0 $0x14780;
	[sflag:s22] =	ssyncadd.s32 @!p0 $0xFFFFFFF0  }
0x1f5: {  	[tilespmem:s23], [sflag:$0x3] =	stream.linear.gather @!p0 [hbm4b:s3+s20], $0x10, $0x38;
	[tilespmem:$0x17A00] =	vst v63  }
0x1f6: {  	_ =	swait.ge @!p0 [sflag:s22], $0x10  }
0x1f7: {  	[sflag:s22] =	ssyncset.done @!p0 $0x0  }
0x1f8: {  	[sflag:s22] =	ssyncadd.s32 @!p0 $0xFFFFFFF0  }
0x1f9: {  	v1 =	vld @!p0 [tilespmem:$0x14700]  }
0x1fa: {  	v2 =	vld @!p0 [tilespmem:$0x14780];
	_ =	sdelay $0x4  }
0x1fb: {  	v1 =	vadd.f32 @!p0 v2, v1;
	_ =	sdelay $0x1  }
0x1fc: {  	v1 =	vmul.f32 @!p0 $5.000000000e-01, v1;
	_ =	sdelay $0x1  }
0x1fd: {  	[tilespmem:$0x14800] =	vst @!p0 v1  }
0x1fe: {  	[tilespmem:s21], [sflag:$0x3] =	stream.linear.gather @!p0 [hbm4b:s26+s20], $0x10, $0x38;
	[tilespmem:$0x17A00] =	vst v63  }
0x1ff: {  	_ =	swait.ge @!p0 [sflag:s22], $0x10  }
0x200: {  	[sflag:s22] =	ssyncset.done @!p0 $0x0  }
0x201: {  	[sflag:s22] =	ssyncadd.s32 @!p0 $0xFFFFFFF0  }
0x202: {  	[tilespmem:s23], [sflag:$0x3] =	stream.linear.gather @!p0 [hbm4b:s28+s20], $0x10, $0x38;
	[tilespmem:$0x17A00] =	vst v63  }
0x203: {  	_ =	swait.ge @!p0 [sflag:s22], $0x10  }
0x204: {  	[sflag:s22] =	ssyncset.done @!p0 $0x0  }
0x205: {  	[sflag:s22] =	ssyncadd.s32 @!p0 $0xFFFFFFF0  }
0x206: {  	v1 =	vld @!p0 [tilespmem:$0x14700]  }
0x207: {  	v2 =	vld @!p0 [tilespmem:$0x14780];
	_ =	sdelay $0x4  }
0x208: {  	v1 =	vadd.f32 @!p0 v2, v1;
	_ =	sdelay $0x1  }
0x209: {  	v1 =	vmul.f32 @!p0 $5.000000000e-01, v1;
	_ =	sdelay $0x1  }
0x20a: {  	s21 =	simm.s32 @!p0 $0x14800;
	s23 =	rddreg [dreg:$0x5];
	[tilespmem:$0x14880] =	vst @!p0 v1  }
0x20b: {  	[hbm4b:s23+s20] =	stream.linear.scatter @!p0 [tilespmem:s21], [sflag:$0x3], $0x100, $0x38;
	[tilespmem:$0x17A00] =	vst v63  }
0x20c: {  	s17 =	sadd.s32 $0x1, s17;
	_ =	swait.ge @!p0 [sflag:s22], $0x100  }
0x20d: {  	s24 =	stileid.u32;
	p1 =	sne.s32 s17, s25;
	[sflag:s22] =	ssyncset.done @!p0 $0x0  }
0x20e: {  	s20 =	sshll.u32 s24, $0x6;
	s21 =	sshrl.u32 s9, $0x3;
	[sflag:s22] =	ssyncadd.s32 @!p0 $0xFFFFFF00  }
0x20f: {  	s23 =	simm.s32 $0x20;
	s24 =	simm.s32 $0x10;
	[bflag:$0x0] =	sbarrier.arrive $0xFFFF  }
.Ltmp7:
0x210: {  	s20 =	sor.u32 $0x1C03, s20;
	s22 =	rddreg [dreg:$0x14];
	(pc) =	sbr.rel @p1 .LBB2_1-.Ltmp7, $4  }
0x211: {  	[hbm:s22@s23], [sflag:s20] =	dma.strided [spmem:s21@s24], $0x310, s12, $0x10   }
0x212: {  	_ =	swait.ge [sflag:s30], $0x310  }
0x213: {  	[sflag:s30] =	ssyncset.done $0x0  }
0x214: {  	[sflag:s30] =	ssyncadd.s32 $0xFFFFFCF0  }
0x215: {  	_ =	sfence.sel $0x180000  }
0x216: {  	[bflag:$0x0] =	sbarrier.arrive $0xFFFF  }
0x217: {  	_ =	strace $0x90000047  }
0x218: {  	s0 =	stileid.u32;
	[bflag:$0x2] =	sbarrier.arrive $0xFFFF  }
0x219: {  	p0 =	sne.s32 s0, $0x0;
	s0 =	rddreg [dreg:$0x7]  }
0x21a: {  	s0 =	sadd.s32 @!p0 $0x100000, s0  }
0x21b: {  	[sflag:s0] =	ssyncadd.tile.s32 @!p0 $0x1;
	_ =	shalt  }
.Lfunc_end2:
_tile_overlayer_lowered:
.L_overlay_start_2:
0x21c: {  	(tag) =	ssettag $0x2  }
0x21d: {  	s0 =	rddreg [dreg:$0x0];
	s2 =	stileid.u32  }
0x21e: {  	s1 =	rddreg [dreg:$0x1];
	p0 =	sne.s32 s2, $0x0  }
0x21f: {  	s3 =	rddreg [dreg:$0x2];
	[bflag:$0x3] =	sbarrier.arrive $0xFFFF;
	s2 =	simm.s32 @!p0 $0x1C03  }
0x220: {  	[timem:s3], [sflag:s2] =	dma.local @!p0 [hbm:s0], s1  }
0x221: {  	s0 =	simm.s32 @!p0 $0x3  }
0x222: {  	_ =	swait.ge @!p0 [sflag:s0], s1  }
0x223: {  	s1 =	ssub.s32 @!p0 $0x0, s1;
	[sflag:s0] =	ssyncset.done @!p0 $0x0  }
0x224: {  	[sflag:s0] =	ssyncadd.s32 @!p0 s1  }
0x225: {  	[bflag:$0x3] =	sbarrier.arrive $0xFFFF  }
0x226: {  	_ =	shalt  }

</sc_bundles>
